<compile_context>
chip_gen: v7x
topology: tpu7x:2x2x1
jax: 0.10.2.dev20260603
libtpu: 0.0.44.dev20260713+nightly
codegen_flags: <defaults>
</compile_context>

<pallas_src>
import functools

import jax
import jax.numpy as jnp
from jax import lax
from jax.experimental import pallas as pl
from jax.experimental.pallas import tpu as pltpu
from jax.experimental.pallas import tpu_sc as plsc

N_CORES = 2
N_SUBCORES = 16
N_WORKERS = N_CORES * N_SUBCORES
LANES = 16
CHUNK = 128
BLK = 16


def _sc_aggregate(n, d, e_pad, recv2d, att2d, edges):
    n_rows = e_pad // CHUNK
    rows_p1 = n_rows // N_SUBCORES
    rows_p2 = n_rows // N_WORKERS
    e_real = edges.shape[0]
    n_per_tile = (n // N_SUBCORES) // 8 * 8
    n_tail = n - n_per_tile * N_SUBCORES
    mesh = plsc.VectorSubcoreMesh(core_axis_name="c", subcore_axis_name="s")

    @functools.partial(
        pl.kernel,
        mesh=mesh,
        out_type=jax.ShapeDtypeStruct((N_CORES, n, d), jnp.float32),
        compiler_params=pltpu.CompilerParams(needs_layout_passes=False),
        scratch_types=[
            pltpu.VMEM((BLK, CHUNK), jnp.int32),
            pltpu.VMEM((BLK, CHUNK), jnp.float32),
            pltpu.VMEM((CHUNK,), jnp.float32),
            pltpu.VMEM((CHUNK,), jnp.float32),
            pltpu.VMEM((n,), jnp.float32),
            pltpu.VMEM((CHUNK, 128), jnp.float32),
            pltpu.VMEM_SHARED((n,), jnp.float32),
            pltpu.VMEM_SHARED((n, 128), jnp.float32),
        ],
    )
    def k(recv_hbm, att_hbm, edges_hbm, out_hbm,
          idx_v, att_v, exp_v, a_v, den_v, ebuf, denom_sh, out_sh):
        cid = lax.axis_index("c")
        sid = lax.axis_index("s")
        wid = sid * N_CORES + cid

        zero16 = jnp.zeros((LANES,), jnp.float32)

        def _zrow(i, _):
            for kk in range(128 // LANES):
                ebuf[i, pl.ds(kk * LANES, LANES)] = zero16
            return 0

        lax.fori_loop(0, CHUNK, _zrow, 0)

        def _zden(i, _):
            den_v[pl.ds(i * LANES, LANES)] = zero16
            return 0

        lax.fori_loop(0, n // LANES, _zden, 0)

        rbase = sid * n_per_tile
        nfull = n_per_tile // CHUNK
        for b in range(nfull):
            pltpu.sync_copy(ebuf, out_sh.at[pl.ds(rbase + b * CHUNK, CHUNK)])
        rem = n_per_tile - nfull * CHUNK
        if rem:
            pltpu.sync_copy(ebuf.at[pl.ds(0, rem)],
                            out_sh.at[pl.ds(rbase + nfull * CHUNK, rem)])

        @pl.when(sid == 0)
        def _():
            pltpu.sync_copy(den_v, denom_sh)
            if n_tail:
                pltpu.sync_copy(ebuf.at[pl.ds(0, n_tail)],
                                out_sh.at[pl.ds(n - n_tail, n_tail)])

        plsc.subcore_barrier()

        p1 = sid * rows_p1

        def _p1_blk(b, _):
            pltpu.sync_copy(recv_hbm.at[pl.ds(p1 + b * BLK, BLK)], idx_v)
            pltpu.sync_copy(att_hbm.at[pl.ds(p1 + b * BLK, BLK)], att_v)

            def _p1(r, _):
                for g in range(CHUNK // LANES):
                    a16 = att_v[r, pl.ds(g * LANES, LANES)]
                    exp_v[pl.ds(g * LANES, LANES)] = jnp.exp(a16)
                pltpu.sync_copy(exp_v, denom_sh.at[idx_v.at[r]], add=True)
                return 0

            lax.fori_loop(0, BLK, _p1, 0)
            return 0

        lax.fori_loop(0, rows_p1 // BLK, _p1_blk, 0)
        plsc.subcore_barrier()

        pltpu.sync_copy(denom_sh, den_v)

        p2 = wid * rows_p2
        ebase0 = wid * (rows_p2 * CHUNK)
        nv = jnp.clip((e_real - ebase0) // CHUNK, 0, rows_p2)

        def _p2_blk(b, _):
            pltpu.sync_copy(recv_hbm.at[pl.ds(p2 + b * BLK, BLK)], idx_v)
            pltpu.sync_copy(att_hbm.at[pl.ds(p2 + b * BLK, BLK)], att_v)
            nvb = jnp.clip(nv - b * BLK, 0, BLK)

            def _p2(c, _):
                pltpu.sync_copy(
                    edges_hbm.at[pl.ds(ebase0 + (b * BLK + c) * CHUNK, CHUNK)],
                    ebuf)
                for g in range(CHUNK // LANES):
                    idx16 = idx_v[c, pl.ds(g * LANES, LANES)]
                    att16 = att_v[c, pl.ds(g * LANES, LANES)]
                    d16 = plsc.load_gather(den_v, [idx16])
                    e16 = jnp.exp(att16)
                    a16 = jnp.where(e16 <= 0.0, 0.0, e16 / d16)
                    a_v[pl.ds(g * LANES, LANES)] = a16

                def _scale(j, _):
                    sp = plsc.load_gather(a_v, [jnp.full((LANES,), j, jnp.int32)])
                    for kk in range(128 // LANES):
                        sl = pl.ds(kk * LANES, LANES)
                        ebuf[j, sl] = ebuf[j, sl] * sp
                    return 0

                lax.fori_loop(0, CHUNK, _scale, 0)
                pltpu.sync_copy(ebuf, out_sh.at[idx_v.at[c]], add=True)
                return 0

            lax.fori_loop(0, nvb, _p2, 0)
            return 0

        lax.fori_loop(0, rows_p2 // BLK, _p2_blk, 0)
        plsc.subcore_barrier()

        pltpu.sync_copy(out_sh.at[pl.ds(rbase, n_per_tile)],
                        out_hbm.at[cid, pl.ds(rbase, n_per_tile)])

        @pl.when(sid == 0)
        def _():
            if n_tail:
                pltpu.sync_copy(out_sh.at[pl.ds(n - n_tail, n_tail)],
                                out_hbm.at[cid, pl.ds(n - n_tail, n_tail)])

    return k(recv2d, att2d, edges)


def _combine(p_ref, o_ref):
    o_ref[...] = p_ref[0] + p_ref[1]


def kernel(nodes, edges, attention, edge_index):
    n = nodes.shape[0]
    e = edges.shape[0]
    d = edges.shape[1]

    recv = edge_index[0].astype(jnp.int32)
    att = attention[:, 0].astype(jnp.float32)

    block = N_WORKERS * CHUNK * 8
    e_pad = ((e + block - 1) // block) * block
    pad = e_pad - e
    recv_p = jnp.concatenate([recv, jnp.zeros((pad,), jnp.int32)])
    att_p = jnp.concatenate([att, jnp.full((pad,), -1e30, jnp.float32)])
    recv2d = recv_p.reshape(-1, CHUNK)
    att2d = att_p.reshape(-1, CHUNK)

    partials = _sc_aggregate(n, d, e_pad, recv2d, att2d, edges)

    nb = 1000
    out = pl.pallas_call(
        _combine,
        grid=(n // nb,),
        in_specs=[pl.BlockSpec((N_CORES, nb, d), lambda i: (0, i, 0))],
        out_specs=pl.BlockSpec((nb, d), lambda i: (i, 0)),
        out_shape=jax.ShapeDtypeStruct((n, d), jnp.float32),
    )(partials)
    return out

# --- scband reference (transcript-rebuilt; emitter-appended) ---
"""Pipeline reference for scband-aggregate-local-edges-attention-24953759989856 (READ-ONLY COPY).

The authoritative reference and input builder live on the scoring server;
editing this copy changes nothing except your own understanding.
"""

import jax, jax.numpy as jnp
import numpy as np

N_NODES = 10000
N_EDGES = 320000
D_FEAT = 128


def setup_inputs(seed: int = 0) -> dict:
    key = jax.random.key(seed)
    k1, k2, k3, k4 = jax.random.split(key, 4)
    nodes = jax.random.normal(k1, (N_NODES, D_FEAT), dtype=jnp.float32)
    edges = jax.random.normal(k2, (N_EDGES, D_FEAT), dtype=jnp.float32)
    attention = jax.random.normal(k3, (N_EDGES, 1), dtype=jnp.float32)
    edge_index = jax.random.randint(k4, (2, N_EDGES), 0, N_NODES).astype(jnp.int64)
    return {"nodes": nodes, "edges": edges, "attention": attention, "edge_index": edge_index}


def reference(nodes, edges, attention, edge_index):
    # pooling_index=0, axis_indices=0 -> receive indices are row 0 of edge_index
    receive_indices = jnp.take(edge_index, 0, axis=0)
    n = nodes.shape[0]
    # scatter_reduce_softmax with normalize=False:
    #   a_ij = exp(att_ij) / segment_sum_j(exp(att_ij))
    exp_a = jnp.exp(attention)
    denom = jnp.zeros((n,) + attention.shape[1:], dtype=attention.dtype).at[receive_indices].add(exp_a)
    a = exp_a / denom[receive_indices]
    # weight edge features by attention and scatter-sum into nodes
    x = edges * jnp.broadcast_to(a, edges.shape)
    out = jnp.zeros((n,) + edges.shape[1:], dtype=edges.dtype).at[receive_indices].add(x)
    return out

if __name__ == "__main__":
    import jax
    _d = setup_inputs()
    print(jax.jit(kernel)(*tuple(_d.values())))

</pallas_src>

<mosaic_0001>
#map = affine_map<(d0, d1) -> (0, 0)>
#map1 = affine_map<(d0, d1) -> (0, 0, 0)>
module attributes {stable_mosaic.version = 14 : i64} {
  func.func @k(%arg0: i32, %arg1: i32, %arg2: memref<2560x128xi32, #tpu.memory_space<hbm>>, %arg3: memref<2560x128xf32, #tpu.memory_space<hbm>>, %arg4: memref<320000x128xf32, #tpu.memory_space<hbm>>, %arg5: memref<2x10000x128xf32, #tpu.memory_space<hbm>>, %arg6: memref<16x128xi32, #tpu.memory_space<vmem>>, %arg7: memref<16x128xf32, #tpu.memory_space<vmem>>, %arg8: memref<128xf32, #tpu.memory_space<vmem>>, %arg9: memref<128xf32, #tpu.memory_space<vmem>>, %arg10: memref<10000xf32, #tpu.memory_space<vmem>>, %arg11: memref<128x128xf32, #tpu.memory_space<vmem>>, %arg12: memref<10000xf32, #tpu.memory_space<vmem_shared>>, %arg13: memref<10000x128xf32, #tpu.memory_space<vmem_shared>>) attributes {dimension_semantics = [#tpu.dimension_semantics<core_parallel>, #tpu.dimension_semantics<subcore_parallel>], iteration_bounds = array<i64: 2, 16>, scalar_prefetch = 0 : i64, scratch_operands = 8 : i64, tpu.core_type = #tpu.core_type<sc_vector_subcore>, window_params = [{transform_indices = #map}, {transform_indices = #map}, {transform_indices = #map}, {transform_indices = #map1}]} {
    %mul3A = arith.constant 2 : i32
    %mul3A_0 = arith.muli %arg1, %mul3A : i32
    %add3A = arith.addi %mul3A_0, %arg0 : i32
    %broadcast_in_dim3A = arith.constant 0.000000e+00 : f32
    %broadcast_in_dim3A_1 = vector.broadcast %broadcast_in_dim3A : f32 to vector<16xf32>
    %scan3A = arith.constant 0 : i32
    %scan3A_2 = arith.constant 0 : i32
    %scan3A_3 = arith.constant 128 : i32
    %scan3A_4 = arith.addi %scan3A_2, %scan3A_3 : i32
    %scan3A_5 = arith.constant 1 : i32
    %scan3A_6 = scf.for %scan3A_76 = %scan3A_2 to %scan3A_4 step %scan3A_5 iter_args(%scan3A_77 = %scan3A) -> (i32)  : i32 {
      %swap3A = arith.index_cast %scan3A_76 : i32 to index
      %swap3A_78 = arith.constant 0 : index
      %swap3A_79 = tpu.vector_load %arg11[%swap3A, %swap3A_78] {strides = array<i32>} : memref<128x128xf32, #tpu.memory_space<vmem>>, vector<16xf32>,
      tpu.vector_store %arg11[%swap3A, %swap3A_78], %broadcast_in_dim3A_1 {strides = array<i32>} : memref<128x128xf32, #tpu.memory_space<vmem>>, vector<16xf32>,
      %swap3A_80 = arith.index_cast %scan3A_76 : i32 to index
      %swap3A_81 = arith.constant 16 : index
      %swap3A_82 = tpu.vector_load %arg11[%swap3A_80, %swap3A_81] {strides = array<i32>} : memref<128x128xf32, #tpu.memory_space<vmem>>, vector<16xf32>,
      tpu.vector_store %arg11[%swap3A_80, %swap3A_81], %broadcast_in_dim3A_1 {strides = array<i32>} : memref<128x128xf32, #tpu.memory_space<vmem>>, vector<16xf32>,
      %swap3A_83 = arith.index_cast %scan3A_76 : i32 to index
      %swap3A_84 = arith.constant 32 : index
      %swap3A_85 = tpu.vector_load %arg11[%swap3A_83, %swap3A_84] {strides = array<i32>} : memref<128x128xf32, #tpu.memory_space<vmem>>, vector<16xf32>,
      tpu.vector_store %arg11[%swap3A_83, %swap3A_84], %broadcast_in_dim3A_1 {strides = array<i32>} : memref<128x128xf32, #tpu.memory_space<vmem>>, vector<16xf32>,
      %swap3A_86 = arith.index_cast %scan3A_76 : i32 to index
      %swap3A_87 = arith.constant 48 : index
      %swap3A_88 = tpu.vector_load %arg11[%swap3A_86, %swap3A_87] {strides = array<i32>} : memref<128x128xf32, #tpu.memory_space<vmem>>, vector<16xf32>,
      tpu.vector_store %arg11[%swap3A_86, %swap3A_87], %broadcast_in_dim3A_1 {strides = array<i32>} : memref<128x128xf32, #tpu.memory_space<vmem>>, vector<16xf32>,
      %swap3A_89 = arith.index_cast %scan3A_76 : i32 to index
      %swap3A_90 = arith.constant 64 : index
      %swap3A_91 = tpu.vector_load %arg11[%swap3A_89, %swap3A_90] {strides = array<i32>} : memref<128x128xf32, #tpu.memory_space<vmem>>, vector<16xf32>,
      tpu.vector_store %arg11[%swap3A_89, %swap3A_90], %broadcast_in_dim3A_1 {strides = array<i32>} : memref<128x128xf32, #tpu.memory_space<vmem>>, vector<16xf32>,
      %swap3A_92 = arith.index_cast %scan3A_76 : i32 to index
      %swap3A_93 = arith.constant 80 : index
      %swap3A_94 = tpu.vector_load %arg11[%swap3A_92, %swap3A_93] {strides = array<i32>} : memref<128x128xf32, #tpu.memory_space<vmem>>, vector<16xf32>,
      tpu.vector_store %arg11[%swap3A_92, %swap3A_93], %broadcast_in_dim3A_1 {strides = array<i32>} : memref<128x128xf32, #tpu.memory_space<vmem>>, vector<16xf32>,
      %swap3A_95 = arith.index_cast %scan3A_76 : i32 to index
      %swap3A_96 = arith.constant 96 : index
      %swap3A_97 = tpu.vector_load %arg11[%swap3A_95, %swap3A_96] {strides = array<i32>} : memref<128x128xf32, #tpu.memory_space<vmem>>, vector<16xf32>,
      tpu.vector_store %arg11[%swap3A_95, %swap3A_96], %broadcast_in_dim3A_1 {strides = array<i32>} : memref<128x128xf32, #tpu.memory_space<vmem>>, vector<16xf32>,
      %swap3A_98 = arith.index_cast %scan3A_76 : i32 to index
      %swap3A_99 = arith.constant 112 : index
      %swap3A_100 = tpu.vector_load %arg11[%swap3A_98, %swap3A_99] {strides = array<i32>} : memref<128x128xf32, #tpu.memory_space<vmem>>, vector<16xf32>,
      tpu.vector_store %arg11[%swap3A_98, %swap3A_99], %broadcast_in_dim3A_1 {strides = array<i32>} : memref<128x128xf32, #tpu.memory_space<vmem>>, vector<16xf32>,
      %scan3A_101 = arith.constant 0 : i32
      scf.yield %scan3A_101 : i32
    }
    %scan3A_7 = arith.constant 128 : i32
    %scan3A_8 = arith.constant 0 : i32
    %scan3A_9 = arith.constant 0 : i32
    %scan3A_10 = arith.constant 625 : i32
    %scan3A_11 = arith.addi %scan3A_9, %scan3A_10 : i32
    %scan3A_12 = arith.constant 1 : i32
    %scan3A_13 = scf.for %scan3A_76 = %scan3A_9 to %scan3A_11 step %scan3A_12 iter_args(%scan3A_77 = %scan3A_8) -> (i32)  : i32 {
      %mul3A_78 = arith.constant 16 : i32
      %mul3A_79 = arith.muli %scan3A_76, %mul3A_78 : i32
      %swap3A = arith.index_cast %mul3A_79 : i32 to index
      %swap3A_80 = tpu.vector_load %arg10[%swap3A] {strides = array<i32>} : memref<10000xf32, #tpu.memory_space<vmem>>, vector<16xf32>,
      tpu.vector_store %arg10[%swap3A], %broadcast_in_dim3A_1 {strides = array<i32>} : memref<10000xf32, #tpu.memory_space<vmem>>, vector<16xf32>,
      %scan3A_81 = arith.constant 0 : i32
      scf.yield %scan3A_81 : i32
    }
    %scan3A_14 = arith.constant 625 : i32
    %mul3A_15 = arith.constant 624 : i32
    %mul3A_16 = arith.muli %arg1, %mul3A_15 : i32
    %add3A_17 = arith.constant 0 : i32
    %add3A_18 = arith.addi %mul3A_16, %add3A_17 : i32
    "tpu.region"() ({
      %run_scoped3A = tpu.sem_alloc : memref<!tpu.dma_semaphore, #tpu.memory_space<semaphore_mem>>
      %dma_start3A = arith.constant 0 : i32
      %dma_start3A_76 = tpu.memref_slice %arg13[%add3A_18, %dma_start3A] : memref<10000x128xf32, #tpu.memory_space<vmem_shared>> -> memref<128x128xf32, #tpu.memory_space<vmem_shared>>
      %dma_start3A_77 = arith.constant 0 : i32
      %dma_start3A_78 = tpu.memref_slice %arg13[%add3A_18, %dma_start3A_77] : memref<10000x128xf32, #tpu.memory_space<vmem_shared>> -> memref<128x128xf32, #tpu.memory_space<vmem_shared>>
      tpu.enqueue_dma source(%arg11 : memref<128x128xf32, #tpu.memory_space<vmem>>) target(%dma_start3A_78 : memref<128x128xf32, #tpu.memory_space<vmem_shared>>) target_semaphore(%run_scoped3A : memref<!tpu.dma_semaphore, #tpu.memory_space<semaphore_mem>>)
      %dma_wait3A = arith.constant 0 : i32
      %dma_wait3A_79 = tpu.memref_slice %arg13[%add3A_18, %dma_wait3A] : memref<10000x128xf32, #tpu.memory_space<vmem_shared>> -> memref<128x128xf32, #tpu.memory_space<vmem_shared>>
      %dma_wait3A_80 = arith.constant 0 : i32
      %dma_wait3A_81 = tpu.memref_slice %arg13[%add3A_18, %dma_wait3A_80] : memref<10000x128xf32, #tpu.memory_space<vmem_shared>> -> memref<128x128xf32, #tpu.memory_space<vmem_shared>>
      tpu.wait_dma2 semaphore(%run_scoped3A : memref<!tpu.dma_semaphore, #tpu.memory_space<semaphore_mem>>) src(%arg11 : memref<128x128xf32, #tpu.memory_space<vmem>>) dst(%dma_wait3A_81 : memref<128x128xf32, #tpu.memory_space<vmem_shared>>)
      tpu.yield
    }) : () -> ()
    %add3A_19 = arith.constant 128 : i32
    %add3A_20 = arith.addi %mul3A_16, %add3A_19 : i32
    "tpu.region"() ({
      %run_scoped3A = tpu.sem_alloc : memref<!tpu.dma_semaphore, #tpu.memory_space<semaphore_mem>>
      %dma_start3A = arith.constant 0 : i32
      %dma_start3A_76 = tpu.memref_slice %arg13[%add3A_20, %dma_start3A] : memref<10000x128xf32, #tpu.memory_space<vmem_shared>> -> memref<128x128xf32, #tpu.memory_space<vmem_shared>>
      %dma_start3A_77 = arith.constant 0 : i32
      %dma_start3A_78 = tpu.memref_slice %arg13[%add3A_20, %dma_start3A_77] : memref<10000x128xf32, #tpu.memory_space<vmem_shared>> -> memref<128x128xf32, #tpu.memory_space<vmem_shared>>
      tpu.enqueue_dma source(%arg11 : memref<128x128xf32, #tpu.memory_space<vmem>>) target(%dma_start3A_78 : memref<128x128xf32, #tpu.memory_space<vmem_shared>>) target_semaphore(%run_scoped3A : memref<!tpu.dma_semaphore, #tpu.memory_space<semaphore_mem>>)
      %dma_wait3A = arith.constant 0 : i32
      %dma_wait3A_79 = tpu.memref_slice %arg13[%add3A_20, %dma_wait3A] : memref<10000x128xf32, #tpu.memory_space<vmem_shared>> -> memref<128x128xf32, #tpu.memory_space<vmem_shared>>
      %dma_wait3A_80 = arith.constant 0 : i32
      %dma_wait3A_81 = tpu.memref_slice %arg13[%add3A_20, %dma_wait3A_80] : memref<10000x128xf32, #tpu.memory_space<vmem_shared>> -> memref<128x128xf32, #tpu.memory_space<vmem_shared>>
      tpu.wait_dma2 semaphore(%run_scoped3A : memref<!tpu.dma_semaphore, #tpu.memory_space<semaphore_mem>>) src(%arg11 : memref<128x128xf32, #tpu.memory_space<vmem>>) dst(%dma_wait3A_81 : memref<128x128xf32, #tpu.memory_space<vmem_shared>>)
      tpu.yield
    }) : () -> ()
    %add3A_21 = arith.constant 256 : i32
    %add3A_22 = arith.addi %mul3A_16, %add3A_21 : i32
    "tpu.region"() ({
      %run_scoped3A = tpu.sem_alloc : memref<!tpu.dma_semaphore, #tpu.memory_space<semaphore_mem>>
      %dma_start3A = arith.constant 0 : i32
      %dma_start3A_76 = tpu.memref_slice %arg13[%add3A_22, %dma_start3A] : memref<10000x128xf32, #tpu.memory_space<vmem_shared>> -> memref<128x128xf32, #tpu.memory_space<vmem_shared>>
      %dma_start3A_77 = arith.constant 0 : i32
      %dma_start3A_78 = tpu.memref_slice %arg13[%add3A_22, %dma_start3A_77] : memref<10000x128xf32, #tpu.memory_space<vmem_shared>> -> memref<128x128xf32, #tpu.memory_space<vmem_shared>>
      tpu.enqueue_dma source(%arg11 : memref<128x128xf32, #tpu.memory_space<vmem>>) target(%dma_start3A_78 : memref<128x128xf32, #tpu.memory_space<vmem_shared>>) target_semaphore(%run_scoped3A : memref<!tpu.dma_semaphore, #tpu.memory_space<semaphore_mem>>)
      %dma_wait3A = arith.constant 0 : i32
      %dma_wait3A_79 = tpu.memref_slice %arg13[%add3A_22, %dma_wait3A] : memref<10000x128xf32, #tpu.memory_space<vmem_shared>> -> memref<128x128xf32, #tpu.memory_space<vmem_shared>>
      %dma_wait3A_80 = arith.constant 0 : i32
      %dma_wait3A_81 = tpu.memref_slice %arg13[%add3A_22, %dma_wait3A_80] : memref<10000x128xf32, #tpu.memory_space<vmem_shared>> -> memref<128x128xf32, #tpu.memory_space<vmem_shared>>
      tpu.wait_dma2 semaphore(%run_scoped3A : memref<!tpu.dma_semaphore, #tpu.memory_space<semaphore_mem>>) src(%arg11 : memref<128x128xf32, #tpu.memory_space<vmem>>) dst(%dma_wait3A_81 : memref<128x128xf32, #tpu.memory_space<vmem_shared>>)
      tpu.yield
    }) : () -> ()
    %add3A_23 = arith.constant 384 : i32
    %add3A_24 = arith.addi %mul3A_16, %add3A_23 : i32
    "tpu.region"() ({
      %run_scoped3A = tpu.sem_alloc : memref<!tpu.dma_semaphore, #tpu.memory_space<semaphore_mem>>
      %dma_start3A = arith.constant 0 : i32
      %dma_start3A_76 = tpu.memref_slice %arg13[%add3A_24, %dma_start3A] : memref<10000x128xf32, #tpu.memory_space<vmem_shared>> -> memref<128x128xf32, #tpu.memory_space<vmem_shared>>
      %dma_start3A_77 = arith.constant 0 : i32
      %dma_start3A_78 = tpu.memref_slice %arg13[%add3A_24, %dma_start3A_77] : memref<10000x128xf32, #tpu.memory_space<vmem_shared>> -> memref<128x128xf32, #tpu.memory_space<vmem_shared>>
      tpu.enqueue_dma source(%arg11 : memref<128x128xf32, #tpu.memory_space<vmem>>) target(%dma_start3A_78 : memref<128x128xf32, #tpu.memory_space<vmem_shared>>) target_semaphore(%run_scoped3A : memref<!tpu.dma_semaphore, #tpu.memory_space<semaphore_mem>>)
      %dma_wait3A = arith.constant 0 : i32
      %dma_wait3A_79 = tpu.memref_slice %arg13[%add3A_24, %dma_wait3A] : memref<10000x128xf32, #tpu.memory_space<vmem_shared>> -> memref<128x128xf32, #tpu.memory_space<vmem_shared>>
      %dma_wait3A_80 = arith.constant 0 : i32
      %dma_wait3A_81 = tpu.memref_slice %arg13[%add3A_24, %dma_wait3A_80] : memref<10000x128xf32, #tpu.memory_space<vmem_shared>> -> memref<128x128xf32, #tpu.memory_space<vmem_shared>>
      tpu.wait_dma2 semaphore(%run_scoped3A : memref<!tpu.dma_semaphore, #tpu.memory_space<semaphore_mem>>) src(%arg11 : memref<128x128xf32, #tpu.memory_space<vmem>>) dst(%dma_wait3A_81 : memref<128x128xf32, #tpu.memory_space<vmem_shared>>)
      tpu.yield
    }) : () -> ()
    %add3A_25 = arith.constant 512 : i32
    %add3A_26 = arith.addi %mul3A_16, %add3A_25 : i32
    "tpu.region"() ({
      %run_scoped3A = tpu.sem_alloc : memref<!tpu.dma_semaphore, #tpu.memory_space<semaphore_mem>>
      %dma_start3A = arith.constant 0 : i32
      %dma_start3A_76 = arith.constant 0 : i32
      %dma_start3A_77 = tpu.memref_slice %arg11[%dma_start3A, %dma_start3A_76] : memref<128x128xf32, #tpu.memory_space<vmem>> -> memref<112x128xf32, #tpu.memory_space<vmem>>
      %dma_start3A_78 = arith.constant 0 : i32
      %dma_start3A_79 = tpu.memref_slice %arg13[%add3A_26, %dma_start3A_78] : memref<10000x128xf32, #tpu.memory_space<vmem_shared>> -> memref<112x128xf32, #tpu.memory_space<vmem_shared>>
      %dma_start3A_80 = arith.constant 0 : i32
      %dma_start3A_81 = tpu.memref_slice %arg13[%add3A_26, %dma_start3A_80] : memref<10000x128xf32, #tpu.memory_space<vmem_shared>> -> memref<112x128xf32, #tpu.memory_space<vmem_shared>>
      %dma_start3A_82 = arith.constant 0 : i32
      %dma_start3A_83 = arith.constant 0 : i32
      %dma_start3A_84 = tpu.memref_slice %arg11[%dma_start3A_82, %dma_start3A_83] : memref<128x128xf32, #tpu.memory_space<vmem>> -> memref<112x128xf32, #tpu.memory_space<vmem>>
      tpu.enqueue_dma source(%dma_start3A_84 : memref<112x128xf32, #tpu.memory_space<vmem>>) target(%dma_start3A_81 : memref<112x128xf32, #tpu.memory_space<vmem_shared>>) target_semaphore(%run_scoped3A : memref<!tpu.dma_semaphore, #tpu.memory_space<semaphore_mem>>)
      %dma_wait3A = arith.constant 0 : i32
      %dma_wait3A_85 = arith.constant 0 : i32
      %dma_wait3A_86 = tpu.memref_slice %arg11[%dma_wait3A, %dma_wait3A_85] : memref<128x128xf32, #tpu.memory_space<vmem>> -> memref<112x128xf32, #tpu.memory_space<vmem>>
      %dma_wait3A_87 = arith.constant 0 : i32
      %dma_wait3A_88 = tpu.memref_slice %arg13[%add3A_26, %dma_wait3A_87] : memref<10000x128xf32, #tpu.memory_space<vmem_shared>> -> memref<112x128xf32, #tpu.memory_space<vmem_shared>>
      %dma_wait3A_89 = arith.constant 0 : i32
      %dma_wait3A_90 = tpu.memref_slice %arg13[%add3A_26, %dma_wait3A_89] : memref<10000x128xf32, #tpu.memory_space<vmem_shared>> -> memref<112x128xf32, #tpu.memory_space<vmem_shared>>
      %dma_wait3A_91 = arith.constant 0 : i32
      %dma_wait3A_92 = arith.constant 0 : i32
      %dma_wait3A_93 = tpu.memref_slice %arg11[%dma_wait3A_91, %dma_wait3A_92] : memref<128x128xf32, #tpu.memory_space<vmem>> -> memref<112x128xf32, #tpu.memory_space<vmem>>
      tpu.wait_dma2 semaphore(%run_scoped3A : memref<!tpu.dma_semaphore, #tpu.memory_space<semaphore_mem>>) src(%dma_wait3A_93 : memref<112x128xf32, #tpu.memory_space<vmem>>) dst(%dma_wait3A_90 : memref<112x128xf32, #tpu.memory_space<vmem_shared>>)
      tpu.yield
    }) : () -> ()
    %eq3A = arith.constant 0 : i32
    %eq3A_27 = arith.cmpi eq, %arg1, %eq3A : i32
    %convert_element_type3A = arith.extui %eq3A_27 : i1 to i32
    %cond3A = arith.constant 0 : i32
    %cond3A_28 = arith.cmpi ne, %convert_element_type3A, %cond3A : i32
    scf.if %cond3A_28 {
      "tpu.region"() ({
        %run_scoped3A = tpu.sem_alloc : memref<!tpu.dma_semaphore, #tpu.memory_space<semaphore_mem>>
        tpu.enqueue_dma source(%arg10 : memref<10000xf32, #tpu.memory_space<vmem>>) target(%arg12 : memref<10000xf32, #tpu.memory_space<vmem_shared>>) target_semaphore(%run_scoped3A : memref<!tpu.dma_semaphore, #tpu.memory_space<semaphore_mem>>)
        tpu.wait_dma2 semaphore(%run_scoped3A : memref<!tpu.dma_semaphore, #tpu.memory_space<semaphore_mem>>) src(%arg10 : memref<10000xf32, #tpu.memory_space<vmem>>) dst(%arg12 : memref<10000xf32, #tpu.memory_space<vmem_shared>>)
        tpu.yield
      }) : () -> ()
      "tpu.region"() ({
        %run_scoped3A = tpu.sem_alloc : memref<!tpu.dma_semaphore, #tpu.memory_space<semaphore_mem>>
        %dma_start3A = arith.constant 0 : i32
        %dma_start3A_76 = arith.constant 0 : i32
        %dma_start3A_77 = tpu.memref_slice %arg11[%dma_start3A, %dma_start3A_76] : memref<128x128xf32, #tpu.memory_space<vmem>> -> memref<16x128xf32, #tpu.memory_space<vmem>>
        %dma_start3A_78 = arith.constant 9984 : i32
        %dma_start3A_79 = arith.constant 0 : i32
        %dma_start3A_80 = tpu.memref_slice %arg13[%dma_start3A_78, %dma_start3A_79] : memref<10000x128xf32, #tpu.memory_space<vmem_shared>> -> memref<16x128xf32, #tpu.memory_space<vmem_shared>>
        %dma_start3A_81 = arith.constant 9984 : i32
        %dma_start3A_82 = arith.constant 0 : i32
        %dma_start3A_83 = tpu.memref_slice %arg13[%dma_start3A_81, %dma_start3A_82] : memref<10000x128xf32, #tpu.memory_space<vmem_shared>> -> memref<16x128xf32, #tpu.memory_space<vmem_shared>>
        %dma_start3A_84 = arith.constant 0 : i32
        %dma_start3A_85 = arith.constant 0 : i32
        %dma_start3A_86 = tpu.memref_slice %arg11[%dma_start3A_84, %dma_start3A_85] : memref<128x128xf32, #tpu.memory_space<vmem>> -> memref<16x128xf32, #tpu.memory_space<vmem>>
        tpu.enqueue_dma source(%dma_start3A_86 : memref<16x128xf32, #tpu.memory_space<vmem>>) target(%dma_start3A_83 : memref<16x128xf32, #tpu.memory_space<vmem_shared>>) target_semaphore(%run_scoped3A : memref<!tpu.dma_semaphore, #tpu.memory_space<semaphore_mem>>)
        %dma_wait3A = arith.constant 0 : i32
        %dma_wait3A_87 = arith.constant 0 : i32
        %dma_wait3A_88 = tpu.memref_slice %arg11[%dma_wait3A, %dma_wait3A_87] : memref<128x128xf32, #tpu.memory_space<vmem>> -> memref<16x128xf32, #tpu.memory_space<vmem>>
        %dma_wait3A_89 = arith.constant 9984 : i32
        %dma_wait3A_90 = arith.constant 0 : i32
        %dma_wait3A_91 = tpu.memref_slice %arg13[%dma_wait3A_89, %dma_wait3A_90] : memref<10000x128xf32, #tpu.memory_space<vmem_shared>> -> memref<16x128xf32, #tpu.memory_space<vmem_shared>>
        %dma_wait3A_92 = arith.constant 9984 : i32
        %dma_wait3A_93 = arith.constant 0 : i32
        %dma_wait3A_94 = tpu.memref_slice %arg13[%dma_wait3A_92, %dma_wait3A_93] : memref<10000x128xf32, #tpu.memory_space<vmem_shared>> -> memref<16x128xf32, #tpu.memory_space<vmem_shared>>
        %dma_wait3A_95 = arith.constant 0 : i32
        %dma_wait3A_96 = arith.constant 0 : i32
        %dma_wait3A_97 = tpu.memref_slice %arg11[%dma_wait3A_95, %dma_wait3A_96] : memref<128x128xf32, #tpu.memory_space<vmem>> -> memref<16x128xf32, #tpu.memory_space<vmem>>
        tpu.wait_dma2 semaphore(%run_scoped3A : memref<!tpu.dma_semaphore, #tpu.memory_space<semaphore_mem>>) src(%dma_wait3A_97 : memref<16x128xf32, #tpu.memory_space<vmem>>) dst(%dma_wait3A_94 : memref<16x128xf32, #tpu.memory_space<vmem_shared>>)
        tpu.yield
      }) : () -> ()
    } else {
    }
    %barrier3A = arith.constant 0 : index
    tpu.barrier barrier_id(%barrier3A)
    %mul3A_29 = arith.constant 160 : i32
    %mul3A_30 = arith.muli %arg1, %mul3A_29 : i32
    %scan3A_31 = arith.constant 0 : i32
    %scan3A_32 = arith.constant 0 : i32
    %scan3A_33 = arith.constant 10 : i32
    %scan3A_34 = arith.addi %scan3A_32, %scan3A_33 : i32
    %scan3A_35 = arith.constant 1 : i32
    %scan3A_36 = scf.for %scan3A_76 = %scan3A_32 to %scan3A_34 step %scan3A_35 iter_args(%scan3A_77 = %scan3A_31) -> (i32)  : i32 {
      %mul3A_78 = arith.constant 16 : i32
      %mul3A_79 = arith.muli %scan3A_76, %mul3A_78 : i32
      %add3A_80 = arith.addi %mul3A_30, %mul3A_79 : i32
      "tpu.region"() ({
        %run_scoped3A = tpu.sem_alloc : memref<!tpu.dma_semaphore, #tpu.memory_space<semaphore_mem>>
        %dma_start3A = arith.constant 0 : i32
        %dma_start3A_92 = tpu.memref_slice %arg2[%add3A_80, %dma_start3A] : memref<2560x128xi32, #tpu.memory_space<hbm>> -> memref<16x128xi32, #tpu.memory_space<hbm>>
        %dma_start3A_93 = arith.constant 0 : i32
        %dma_start3A_94 = tpu.memref_slice %arg2[%add3A_80, %dma_start3A_93] : memref<2560x128xi32, #tpu.memory_space<hbm>> -> memref<16x128xi32, #tpu.memory_space<hbm>>
        tpu.enqueue_dma source(%dma_start3A_94 : memref<16x128xi32, #tpu.memory_space<hbm>>) target(%arg6 : memref<16x128xi32, #tpu.memory_space<vmem>>) target_semaphore(%run_scoped3A : memref<!tpu.dma_semaphore, #tpu.memory_space<semaphore_mem>>)
        %dma_wait3A = arith.constant 0 : i32
        %dma_wait3A_95 = tpu.memref_slice %arg2[%add3A_80, %dma_wait3A] : memref<2560x128xi32, #tpu.memory_space<hbm>> -> memref<16x128xi32, #tpu.memory_space<hbm>>
        %dma_wait3A_96 = arith.constant 0 : i32
        %dma_wait3A_97 = tpu.memref_slice %arg2[%add3A_80, %dma_wait3A_96] : memref<2560x128xi32, #tpu.memory_space<hbm>> -> memref<16x128xi32, #tpu.memory_space<hbm>>
        tpu.wait_dma2 semaphore(%run_scoped3A : memref<!tpu.dma_semaphore, #tpu.memory_space<semaphore_mem>>) src(%dma_wait3A_97 : memref<16x128xi32, #tpu.memory_space<hbm>>) dst(%arg6 : memref<16x128xi32, #tpu.memory_space<vmem>>)
        tpu.yield
      }) : () -> ()
      %mul3A_81 = arith.constant 16 : i32
      %mul3A_82 = arith.muli %scan3A_76, %mul3A_81 : i32
      %add3A_83 = arith.addi %mul3A_30, %mul3A_82 : i32
      "tpu.region"() ({
        %run_scoped3A = tpu.sem_alloc : memref<!tpu.dma_semaphore, #tpu.memory_space<semaphore_mem>>
        %dma_start3A = arith.constant 0 : i32
        %dma_start3A_92 = tpu.memref_slice %arg3[%add3A_83, %dma_start3A] : memref<2560x128xf32, #tpu.memory_space<hbm>> -> memref<16x128xf32, #tpu.memory_space<hbm>>
        %dma_start3A_93 = arith.constant 0 : i32
        %dma_start3A_94 = tpu.memref_slice %arg3[%add3A_83, %dma_start3A_93] : memref<2560x128xf32, #tpu.memory_space<hbm>> -> memref<16x128xf32, #tpu.memory_space<hbm>>
        tpu.enqueue_dma source(%dma_start3A_94 : memref<16x128xf32, #tpu.memory_space<hbm>>) target(%arg7 : memref<16x128xf32, #tpu.memory_space<vmem>>) target_semaphore(%run_scoped3A : memref<!tpu.dma_semaphore, #tpu.memory_space<semaphore_mem>>)
        %dma_wait3A = arith.constant 0 : i32
        %dma_wait3A_95 = tpu.memref_slice %arg3[%add3A_83, %dma_wait3A] : memref<2560x128xf32, #tpu.memory_space<hbm>> -> memref<16x128xf32, #tpu.memory_space<hbm>>
        %dma_wait3A_96 = arith.constant 0 : i32
        %dma_wait3A_97 = tpu.memref_slice %arg3[%add3A_83, %dma_wait3A_96] : memref<2560x128xf32, #tpu.memory_space<hbm>> -> memref<16x128xf32, #tpu.memory_space<hbm>>
        tpu.wait_dma2 semaphore(%run_scoped3A : memref<!tpu.dma_semaphore, #tpu.memory_space<semaphore_mem>>) src(%dma_wait3A_97 : memref<16x128xf32, #tpu.memory_space<hbm>>) dst(%arg7 : memref<16x128xf32, #tpu.memory_space<vmem>>)
        tpu.yield
      }) : () -> ()
      %scan3A_84 = arith.constant 0 : i32
      %scan3A_85 = arith.constant 0 : i32
      %scan3A_86 = arith.constant 16 : i32
      %scan3A_87 = arith.addi %scan3A_85, %scan3A_86 : i32
      %scan3A_88 = arith.constant 1 : i32
      %scan3A_89 = scf.for %scan3A_92 = %scan3A_85 to %scan3A_87 step %scan3A_88 iter_args(%scan3A_93 = %scan3A_84) -> (i32)  : i32 {
        %get3A = arith.index_cast %scan3A_92 : i32 to index
        %get3A_94 = arith.constant 0 : index
        %get3A_95 = tpu.vector_load %arg7[%get3A, %get3A_94] {strides = array<i32>} : memref<16x128xf32, #tpu.memory_space<vmem>>, vector<16xf32>,
        %exp3A = math.exp %get3A_95 : vector<16xf32>
        %swap3A = arith.constant 0 : index
        %swap3A_96 = tpu.vector_load %arg8[%swap3A] {strides = array<i32>} : memref<128xf32, #tpu.memory_space<vmem>>, vector<16xf32>,
        tpu.vector_store %arg8[%swap3A], %exp3A {strides = array<i32>} : memref<128xf32, #tpu.memory_space<vmem>>, vector<16xf32>,
        %get3A_97 = arith.index_cast %scan3A_92 : i32 to index
        %get3A_98 = arith.constant 16 : index
        %get3A_99 = tpu.vector_load %arg7[%get3A_97, %get3A_98] {strides = array<i32>} : memref<16x128xf32, #tpu.memory_space<vmem>>, vector<16xf32>,
        %exp3A_100 = math.exp %get3A_99 : vector<16xf32>
        %swap3A_101 = arith.constant 16 : index
        %swap3A_102 = tpu.vector_load %arg8[%swap3A_101] {strides = array<i32>} : memref<128xf32, #tpu.memory_space<vmem>>, vector<16xf32>,
        tpu.vector_store %arg8[%swap3A_101], %exp3A_100 {strides = array<i32>} : memref<128xf32, #tpu.memory_space<vmem>>, vector<16xf32>,
        %get3A_103 = arith.index_cast %scan3A_92 : i32 to index
        %get3A_104 = arith.constant 32 : index
        %get3A_105 = tpu.vector_load %arg7[%get3A_103, %get3A_104] {strides = array<i32>} : memref<16x128xf32, #tpu.memory_space<vmem>>, vector<16xf32>,
        %exp3A_106 = math.exp %get3A_105 : vector<16xf32>
        %swap3A_107 = arith.constant 32 : index
        %swap3A_108 = tpu.vector_load %arg8[%swap3A_107] {strides = array<i32>} : memref<128xf32, #tpu.memory_space<vmem>>, vector<16xf32>,
        tpu.vector_store %arg8[%swap3A_107], %exp3A_106 {strides = array<i32>} : memref<128xf32, #tpu.memory_space<vmem>>, vector<16xf32>,
        %get3A_109 = arith.index_cast %scan3A_92 : i32 to index
        %get3A_110 = arith.constant 48 : index
        %get3A_111 = tpu.vector_load %arg7[%get3A_109, %get3A_110] {strides = array<i32>} : memref<16x128xf32, #tpu.memory_space<vmem>>, vector<16xf32>,
        %exp3A_112 = math.exp %get3A_111 : vector<16xf32>
        %swap3A_113 = arith.constant 48 : index
        %swap3A_114 = tpu.vector_load %arg8[%swap3A_113] {strides = array<i32>} : memref<128xf32, #tpu.memory_space<vmem>>, vector<16xf32>,
        tpu.vector_store %arg8[%swap3A_113], %exp3A_112 {strides = array<i32>} : memref<128xf32, #tpu.memory_space<vmem>>, vector<16xf32>,
        %get3A_115 = arith.index_cast %scan3A_92 : i32 to index
        %get3A_116 = arith.constant 64 : index
        %get3A_117 = tpu.vector_load %arg7[%get3A_115, %get3A_116] {strides = array<i32>} : memref<16x128xf32, #tpu.memory_space<vmem>>, vector<16xf32>,
        %exp3A_118 = math.exp %get3A_117 : vector<16xf32>
        %swap3A_119 = arith.constant 64 : index
        %swap3A_120 = tpu.vector_load %arg8[%swap3A_119] {strides = array<i32>} : memref<128xf32, #tpu.memory_space<vmem>>, vector<16xf32>,
        tpu.vector_store %arg8[%swap3A_119], %exp3A_118 {strides = array<i32>} : memref<128xf32, #tpu.memory_space<vmem>>, vector<16xf32>,
        %get3A_121 = arith.index_cast %scan3A_92 : i32 to index
        %get3A_122 = arith.constant 80 : index
        %get3A_123 = tpu.vector_load %arg7[%get3A_121, %get3A_122] {strides = array<i32>} : memref<16x128xf32, #tpu.memory_space<vmem>>, vector<16xf32>,
        %exp3A_124 = math.exp %get3A_123 : vector<16xf32>
        %swap3A_125 = arith.constant 80 : index
        %swap3A_126 = tpu.vector_load %arg8[%swap3A_125] {strides = array<i32>} : memref<128xf32, #tpu.memory_space<vmem>>, vector<16xf32>,
        tpu.vector_store %arg8[%swap3A_125], %exp3A_124 {strides = array<i32>} : memref<128xf32, #tpu.memory_space<vmem>>, vector<16xf32>,
        %get3A_127 = arith.index_cast %scan3A_92 : i32 to index
        %get3A_128 = arith.constant 96 : index
        %get3A_129 = tpu.vector_load %arg7[%get3A_127, %get3A_128] {strides = array<i32>} : memref<16x128xf32, #tpu.memory_space<vmem>>, vector<16xf32>,
        %exp3A_130 = math.exp %get3A_129 : vector<16xf32>
        %swap3A_131 = arith.constant 96 : index
        %swap3A_132 = tpu.vector_load %arg8[%swap3A_131] {strides = array<i32>} : memref<128xf32, #tpu.memory_space<vmem>>, vector<16xf32>,
        tpu.vector_store %arg8[%swap3A_131], %exp3A_130 {strides = array<i32>} : memref<128xf32, #tpu.memory_space<vmem>>, vector<16xf32>,
        %get3A_133 = arith.index_cast %scan3A_92 : i32 to index
        %get3A_134 = arith.constant 112 : index
        %get3A_135 = tpu.vector_load %arg7[%get3A_133, %get3A_134] {strides = array<i32>} : memref<16x128xf32, #tpu.memory_space<vmem>>, vector<16xf32>,
        %exp3A_136 = math.exp %get3A_135 : vector<16xf32>
        %swap3A_137 = arith.constant 112 : index
        %swap3A_138 = tpu.vector_load %arg8[%swap3A_137] {strides = array<i32>} : memref<128xf32, #tpu.memory_space<vmem>>, vector<16xf32>,
        tpu.vector_store %arg8[%swap3A_137], %exp3A_136 {strides = array<i32>} : memref<128xf32, #tpu.memory_space<vmem>>, vector<16xf32>,
        "tpu.region"() ({
          %run_scoped3A = tpu.sem_alloc : memref<!tpu.dma_semaphore, #tpu.memory_space<semaphore_mem>>
          %dma_start3A = arith.constant 0 : i32
          %dma_start3A_140 = tpu.memref_slice %arg6[%scan3A_92, %dma_start3A] : memref<16x128xi32, #tpu.memory_space<vmem>> -> memref<1x128xi32, #tpu.memory_space<vmem>>
          %dma_start3A_141 = tpu.memref_squeeze %dma_start3A_140 : memref<1x128xi32, #tpu.memory_space<vmem>> -> memref<128xi32, #tpu.memory_space<vmem>>
          %dma_start3A_142 = arith.constant 0 : i32
          %dma_start3A_143 = tpu.memref_slice %arg12[%dma_start3A_142] : memref<10000xf32, #tpu.memory_space<vmem_shared>> -> memref<10000xf32, #tpu.memory_space<vmem_shared>>
          tpu.enqueue_indirect_dma source(%arg8 : memref<128xf32, #tpu.memory_space<vmem>>) target(%dma_start3A_143 : memref<10000xf32, #tpu.memory_space<vmem_shared>>) offsets(%dma_start3A_141 : memref<128xi32, #tpu.memory_space<vmem>>) semaphore(%run_scoped3A : memref<!tpu.dma_semaphore, #tpu.memory_space<semaphore_mem>>) {add = true}
          %dma_wait3A = arith.constant 0 : i32
          %dma_wait3A_144 = tpu.memref_slice %arg6[%scan3A_92, %dma_wait3A] : memref<16x128xi32, #tpu.memory_space<vmem>> -> memref<1x128xi32, #tpu.memory_space<vmem>>
          %dma_wait3A_145 = tpu.memref_squeeze %dma_wait3A_144 : memref<1x128xi32, #tpu.memory_space<vmem>> -> memref<128xi32, #tpu.memory_space<vmem>>
          %dma_wait3A_146 = arith.constant 0 : i32
          %dma_wait3A_147 = tpu.memref_slice %arg12[%dma_wait3A_146] : memref<10000xf32, #tpu.memory_space<vmem_shared>> -> memref<10000xf32, #tpu.memory_space<vmem_shared>>
          tpu.wait_indirect_dma semaphore(%run_scoped3A : memref<!tpu.dma_semaphore, #tpu.memory_space<semaphore_mem>>) src(%arg8 : memref<128xf32, #tpu.memory_space<vmem>>) dst(%dma_wait3A_147 : memref<10000xf32, #tpu.memory_space<vmem_shared>>)
          tpu.yield
        }) : () -> ()
        %scan3A_139 = arith.constant 0 : i32
        scf.yield %scan3A_139 : i32
      }
      %scan3A_90 = arith.constant 16 : i32
      %scan3A_91 = arith.constant 0 : i32
      scf.yield %scan3A_91 : i32
    }
    %scan3A_37 = arith.constant 10 : i32
    %barrier3A_38 = arith.constant 0 : index
    tpu.barrier barrier_id(%barrier3A_38)
    "tpu.region"() ({
      %run_scoped3A = tpu.sem_alloc : memref<!tpu.dma_semaphore, #tpu.memory_space<semaphore_mem>>
      tpu.enqueue_dma source(%arg12 : memref<10000xf32, #tpu.memory_space<vmem_shared>>) target(%arg10 : memref<10000xf32, #tpu.memory_space<vmem>>) target_semaphore(%run_scoped3A : memref<!tpu.dma_semaphore, #tpu.memory_space<semaphore_mem>>)
      tpu.wait_dma2 semaphore(%run_scoped3A : memref<!tpu.dma_semaphore, #tpu.memory_space<semaphore_mem>>) src(%arg12 : memref<10000xf32, #tpu.memory_space<vmem_shared>>) dst(%arg10 : memref<10000xf32, #tpu.memory_space<vmem>>)
      tpu.yield
    }) : () -> ()
    %mul3A_39 = arith.constant 80 : i32
    %mul3A_40 = arith.muli %add3A, %mul3A_39 : i32
    %mul3A_41 = arith.constant 10240 : i32
    %mul3A_42 = arith.muli %add3A, %mul3A_41 : i32
    %sub3A = arith.constant 320000 : i32
    %sub3A_43 = arith.subi %sub3A, %mul3A_42 : i32
    %jit3A = arith.constant 128 : i32
    %div3A = arith.divsi %sub3A_43, %jit3A : i32
    %sign3A = arith.constant 0 : i32
    %sign3A_44 = arith.cmpi sgt, %sub3A_43, %sign3A : i32
    %sign3A_45 = arith.extui %sign3A_44 : i1 to i32
    %sign3A_46 = arith.constant 0 : i32
    %sign3A_47 = arith.cmpi slt, %sub3A_43, %sign3A_46 : i32
    %sign3A_48 = arith.extui %sign3A_47 : i1 to i32
    %sign3A_49 = arith.subi %sign3A_45, %sign3A_48 : i32
    %sign3A_50 = arith.constant 0 : i32
    %sign3A_51 = arith.cmpi sgt, %jit3A, %sign3A_50 : i32
    %sign3A_52 = arith.extui %sign3A_51 : i1 to i32
    %sign3A_53 = arith.constant 0 : i32
    %sign3A_54 = arith.cmpi slt, %jit3A, %sign3A_53 : i32
    %sign3A_55 = arith.extui %sign3A_54 : i1 to i32
    %sign3A_56 = arith.subi %sign3A_52, %sign3A_55 : i32
    %ne3A = arith.cmpi ne, %sign3A_49, %sign3A_56 : i32
    %rem3A = arith.remsi %sub3A_43, %jit3A : i32
    %ne3A_57 = arith.constant 0 : i32
    %ne3A_58 = arith.cmpi ne, %rem3A, %ne3A_57 : i32
    %and3A = arith.andi %ne3A, %ne3A_58 : i1
    %sub3A_59 = arith.constant 1 : i32
    %sub3A_60 = arith.subi %div3A, %sub3A_59 : i32
    %select_n3A = arith.select %and3A, %sub3A_60, %div3A : i32
    %jit3A_61 = arith.constant 0 : i32
    %jit3A_62 = arith.constant 80 : i32
    %max3A = arith.maxsi %jit3A_61, %select_n3A : i32
    %min3A = arith.minsi %jit3A_62, %max3A : i32
    %scan3A_63 = arith.constant 0 : i32
    %scan3A_64 = arith.constant 0 : i32
    %scan3A_65 = arith.constant 5 : i32
    %scan3A_66 = arith.addi %scan3A_64, %scan3A_65 : i32
    %scan3A_67 = arith.constant 1 : i32
    %scan3A_68 = scf.for %scan3A_76 = %scan3A_64 to %scan3A_66 step %scan3A_67 iter_args(%scan3A_77 = %scan3A_63) -> (i32)  : i32 {
      %mul3A_78 = arith.constant 16 : i32
      %mul3A_79 = arith.muli %scan3A_76, %mul3A_78 : i32
      %add3A_80 = arith.addi %mul3A_40, %mul3A_79 : i32
      "tpu.region"() ({
        %run_scoped3A = tpu.sem_alloc : memref<!tpu.dma_semaphore, #tpu.memory_space<semaphore_mem>>
        %dma_start3A = arith.constant 0 : i32
        %dma_start3A_103 = tpu.memref_slice %arg2[%add3A_80, %dma_start3A] : memref<2560x128xi32, #tpu.memory_space<hbm>> -> memref<16x128xi32, #tpu.memory_space<hbm>>
        %dma_start3A_104 = arith.constant 0 : i32
        %dma_start3A_105 = tpu.memref_slice %arg2[%add3A_80, %dma_start3A_104] : memref<2560x128xi32, #tpu.memory_space<hbm>> -> memref<16x128xi32, #tpu.memory_space<hbm>>
        tpu.enqueue_dma source(%dma_start3A_105 : memref<16x128xi32, #tpu.memory_space<hbm>>) target(%arg6 : memref<16x128xi32, #tpu.memory_space<vmem>>) target_semaphore(%run_scoped3A : memref<!tpu.dma_semaphore, #tpu.memory_space<semaphore_mem>>)
        %dma_wait3A = arith.constant 0 : i32
        %dma_wait3A_106 = tpu.memref_slice %arg2[%add3A_80, %dma_wait3A] : memref<2560x128xi32, #tpu.memory_space<hbm>> -> memref<16x128xi32, #tpu.memory_space<hbm>>
        %dma_wait3A_107 = arith.constant 0 : i32
        %dma_wait3A_108 = tpu.memref_slice %arg2[%add3A_80, %dma_wait3A_107] : memref<2560x128xi32, #tpu.memory_space<hbm>> -> memref<16x128xi32, #tpu.memory_space<hbm>>
        tpu.wait_dma2 semaphore(%run_scoped3A : memref<!tpu.dma_semaphore, #tpu.memory_space<semaphore_mem>>) src(%dma_wait3A_108 : memref<16x128xi32, #tpu.memory_space<hbm>>) dst(%arg6 : memref<16x128xi32, #tpu.memory_space<vmem>>)
        tpu.yield
      }) : () -> ()
      %mul3A_81 = arith.constant 16 : i32
      %mul3A_82 = arith.muli %scan3A_76, %mul3A_81 : i32
      %add3A_83 = arith.addi %mul3A_40, %mul3A_82 : i32
      "tpu.region"() ({
        %run_scoped3A = tpu.sem_alloc : memref<!tpu.dma_semaphore, #tpu.memory_space<semaphore_mem>>
        %dma_start3A = arith.constant 0 : i32
        %dma_start3A_103 = tpu.memref_slice %arg3[%add3A_83, %dma_start3A] : memref<2560x128xf32, #tpu.memory_space<hbm>> -> memref<16x128xf32, #tpu.memory_space<hbm>>
        %dma_start3A_104 = arith.constant 0 : i32
        %dma_start3A_105 = tpu.memref_slice %arg3[%add3A_83, %dma_start3A_104] : memref<2560x128xf32, #tpu.memory_space<hbm>> -> memref<16x128xf32, #tpu.memory_space<hbm>>
        tpu.enqueue_dma source(%dma_start3A_105 : memref<16x128xf32, #tpu.memory_space<hbm>>) target(%arg7 : memref<16x128xf32, #tpu.memory_space<vmem>>) target_semaphore(%run_scoped3A : memref<!tpu.dma_semaphore, #tpu.memory_space<semaphore_mem>>)
        %dma_wait3A = arith.constant 0 : i32
        %dma_wait3A_106 = tpu.memref_slice %arg3[%add3A_83, %dma_wait3A] : memref<2560x128xf32, #tpu.memory_space<hbm>> -> memref<16x128xf32, #tpu.memory_space<hbm>>
        %dma_wait3A_107 = arith.constant 0 : i32
        %dma_wait3A_108 = tpu.memref_slice %arg3[%add3A_83, %dma_wait3A_107] : memref<2560x128xf32, #tpu.memory_space<hbm>> -> memref<16x128xf32, #tpu.memory_space<hbm>>
        tpu.wait_dma2 semaphore(%run_scoped3A : memref<!tpu.dma_semaphore, #tpu.memory_space<semaphore_mem>>) src(%dma_wait3A_108 : memref<16x128xf32, #tpu.memory_space<hbm>>) dst(%arg7 : memref<16x128xf32, #tpu.memory_space<vmem>>)
        tpu.yield
      }) : () -> ()
      %mul3A_84 = arith.constant 16 : i32
      %mul3A_85 = arith.muli %scan3A_76, %mul3A_84 : i32
      %sub3A_86 = arith.subi %min3A, %mul3A_85 : i32
      %jit3A_87 = arith.constant 0 : i32
      %jit3A_88 = arith.constant 16 : i32
      %max3A_89 = arith.maxsi %jit3A_87, %sub3A_86 : i32
      %min3A_90 = arith.minsi %jit3A_88, %max3A_89 : i32
      %while3A = arith.constant 0 : i32
      %while3A_91 = arith.constant 0 : i32
      %while3A_92 = arith.subi %min3A_90, %while3A : i32
      %while3A_93 = arith.addi %while3A, %while3A_92 : i32
      %while3A_94 = arith.constant 1 : i32
      %while3A_95 = arith.divsi %while3A_92, %while3A_94 : i32
      %while3A_96 = arith.muli %while3A_95, %while3A_94 : i32
      %while3A_97 = arith.addi %while3A, %while3A_96 : i32
      %while3A_98 = arith.constant 1 : i32
      %while3A_99 = scf.for %while3A_103 = %while3A to %while3A_97 step %while3A_98 iter_args(%while3A_104 = %while3A_91) -> (i32)  : i32 {
        %mul3A_105 = arith.constant 16 : i32
        %mul3A_106 = arith.muli %scan3A_76, %mul3A_105 : i32
        %add3A_107 = arith.addi %mul3A_106, %while3A_103 : i32
        %mul3A_108 = arith.constant 128 : i32
        %mul3A_109 = arith.muli %add3A_107, %mul3A_108 : i32
        %add3A_110 = arith.addi %mul3A_42, %mul3A_109 : i32
        "tpu.region"() ({
          %run_scoped3A = tpu.sem_alloc : memref<!tpu.dma_semaphore, #tpu.memory_space<semaphore_mem>>
          %dma_start3A = arith.constant 0 : i32
          %dma_start3A_250 = tpu.memref_slice %arg4[%add3A_110, %dma_start3A] : memref<320000x128xf32, #tpu.memory_space<hbm>> -> memref<128x128xf32, #tpu.memory_space<hbm>>
          %dma_start3A_251 = arith.constant 0 : i32
          %dma_start3A_252 = tpu.memref_slice %arg4[%add3A_110, %dma_start3A_251] : memref<320000x128xf32, #tpu.memory_space<hbm>> -> memref<128x128xf32, #tpu.memory_space<hbm>>
          tpu.enqueue_dma source(%dma_start3A_252 : memref<128x128xf32, #tpu.memory_space<hbm>>) target(%arg11 : memref<128x128xf32, #tpu.memory_space<vmem>>) target_semaphore(%run_scoped3A : memref<!tpu.dma_semaphore, #tpu.memory_space<semaphore_mem>>)
          %dma_wait3A = arith.constant 0 : i32
          %dma_wait3A_253 = tpu.memref_slice %arg4[%add3A_110, %dma_wait3A] : memref<320000x128xf32, #tpu.memory_space<hbm>> -> memref<128x128xf32, #tpu.memory_space<hbm>>
          %dma_wait3A_254 = arith.constant 0 : i32
          %dma_wait3A_255 = tpu.memref_slice %arg4[%add3A_110, %dma_wait3A_254] : memref<320000x128xf32, #tpu.memory_space<hbm>> -> memref<128x128xf32, #tpu.memory_space<hbm>>
          tpu.wait_dma2 semaphore(%run_scoped3A : memref<!tpu.dma_semaphore, #tpu.memory_space<semaphore_mem>>) src(%dma_wait3A_255 : memref<128x128xf32, #tpu.memory_space<hbm>>) dst(%arg11 : memref<128x128xf32, #tpu.memory_space<vmem>>)
          tpu.yield
        }) : () -> ()
        %get3A = arith.index_cast %while3A_103 : i32 to index
        %get3A_111 = arith.constant 0 : index
        %get3A_112 = tpu.vector_load %arg6[%get3A, %get3A_111] {strides = array<i32>} : memref<16x128xi32, #tpu.memory_space<vmem>>, vector<16xi32>,
        %get3A_113 = arith.index_cast %while3A_103 : i32 to index
        %get3A_114 = arith.constant 0 : index
        %get3A_115 = tpu.vector_load %arg7[%get3A_113, %get3A_114] {strides = array<i32>} : memref<16x128xf32, #tpu.memory_space<vmem>>, vector<16xf32>,
        %gather3A = tpu.vector_load_idx %arg10[%get3A_112] : memref<10000xf32, #tpu.memory_space<vmem>>[vector<16xi32>], vector<16xf32>,
        %exp3A = math.exp %get3A_115 : vector<16xf32>
        %le3A = arith.constant 0.000000e+00 : f32
        %le3A_116 = vector.broadcast %le3A : f32 to vector<16xf32>
        %le3A_117 = arith.cmpf ole, %exp3A, %le3A_116 : vector<16xf32>
        %div3A_118 = arith.divf %exp3A, %gather3A : vector<16xf32>
        %jit3A_119 = arith.constant 0.000000e+00 : f32
        %broadcast_in_dim3A_120 = vector.broadcast %jit3A_119 : f32 to vector<16xf32>
        %select_n3A_121 = arith.select %le3A_117, %broadcast_in_dim3A_120, %div3A_118 : vector<16xi1>, vector<16xf32>
        %swap3A = arith.constant 0 : index
        %swap3A_122 = tpu.vector_load %arg9[%swap3A] {strides = array<i32>} : memref<128xf32, #tpu.memory_space<vmem>>, vector<16xf32>,
        tpu.vector_store %arg9[%swap3A], %select_n3A_121 {strides = array<i32>} : memref<128xf32, #tpu.memory_space<vmem>>, vector<16xf32>,
        %get3A_123 = arith.index_cast %while3A_103 : i32 to index
        %get3A_124 = arith.constant 16 : index
        %get3A_125 = tpu.vector_load %arg6[%get3A_123, %get3A_124] {strides = array<i32>} : memref<16x128xi32, #tpu.memory_space<vmem>>, vector<16xi32>,
        %get3A_126 = arith.index_cast %while3A_103 : i32 to index
        %get3A_127 = arith.constant 16 : index
        %get3A_128 = tpu.vector_load %arg7[%get3A_126, %get3A_127] {strides = array<i32>} : memref<16x128xf32, #tpu.memory_space<vmem>>, vector<16xf32>,
        %gather3A_129 = tpu.vector_load_idx %arg10[%get3A_125] : memref<10000xf32, #tpu.memory_space<vmem>>[vector<16xi32>], vector<16xf32>,
        %exp3A_130 = math.exp %get3A_128 : vector<16xf32>
        %le3A_131 = arith.constant 0.000000e+00 : f32
        %le3A_132 = vector.broadcast %le3A_131 : f32 to vector<16xf32>
        %le3A_133 = arith.cmpf ole, %exp3A_130, %le3A_132 : vector<16xf32>
        %div3A_134 = arith.divf %exp3A_130, %gather3A_129 : vector<16xf32>
        %jit3A_135 = arith.constant 0.000000e+00 : f32
        %broadcast_in_dim3A_136 = vector.broadcast %jit3A_135 : f32 to vector<16xf32>
        %select_n3A_137 = arith.select %le3A_133, %broadcast_in_dim3A_136, %div3A_134 : vector<16xi1>, vector<16xf32>
        %swap3A_138 = arith.constant 16 : index
        %swap3A_139 = tpu.vector_load %arg9[%swap3A_138] {strides = array<i32>} : memref<128xf32, #tpu.memory_space<vmem>>, vector<16xf32>,
        tpu.vector_store %arg9[%swap3A_138], %select_n3A_137 {strides = array<i32>} : memref<128xf32, #tpu.memory_space<vmem>>, vector<16xf32>,
        %get3A_140 = arith.index_cast %while3A_103 : i32 to index
        %get3A_141 = arith.constant 32 : index
        %get3A_142 = tpu.vector_load %arg6[%get3A_140, %get3A_141] {strides = array<i32>} : memref<16x128xi32, #tpu.memory_space<vmem>>, vector<16xi32>,
        %get3A_143 = arith.index_cast %while3A_103 : i32 to index
        %get3A_144 = arith.constant 32 : index
        %get3A_145 = tpu.vector_load %arg7[%get3A_143, %get3A_144] {strides = array<i32>} : memref<16x128xf32, #tpu.memory_space<vmem>>, vector<16xf32>,
        %gather3A_146 = tpu.vector_load_idx %arg10[%get3A_142] : memref<10000xf32, #tpu.memory_space<vmem>>[vector<16xi32>], vector<16xf32>,
        %exp3A_147 = math.exp %get3A_145 : vector<16xf32>
        %le3A_148 = arith.constant 0.000000e+00 : f32
        %le3A_149 = vector.broadcast %le3A_148 : f32 to vector<16xf32>
        %le3A_150 = arith.cmpf ole, %exp3A_147, %le3A_149 : vector<16xf32>
        %div3A_151 = arith.divf %exp3A_147, %gather3A_146 : vector<16xf32>
        %jit3A_152 = arith.constant 0.000000e+00 : f32
        %broadcast_in_dim3A_153 = vector.broadcast %jit3A_152 : f32 to vector<16xf32>
        %select_n3A_154 = arith.select %le3A_150, %broadcast_in_dim3A_153, %div3A_151 : vector<16xi1>, vector<16xf32>
        %swap3A_155 = arith.constant 32 : index
        %swap3A_156 = tpu.vector_load %arg9[%swap3A_155] {strides = array<i32>} : memref<128xf32, #tpu.memory_space<vmem>>, vector<16xf32>,
        tpu.vector_store %arg9[%swap3A_155], %select_n3A_154 {strides = array<i32>} : memref<128xf32, #tpu.memory_space<vmem>>, vector<16xf32>,
        %get3A_157 = arith.index_cast %while3A_103 : i32 to index
        %get3A_158 = arith.constant 48 : index
        %get3A_159 = tpu.vector_load %arg6[%get3A_157, %get3A_158] {strides = array<i32>} : memref<16x128xi32, #tpu.memory_space<vmem>>, vector<16xi32>,
        %get3A_160 = arith.index_cast %while3A_103 : i32 to index
        %get3A_161 = arith.constant 48 : index
        %get3A_162 = tpu.vector_load %arg7[%get3A_160, %get3A_161] {strides = array<i32>} : memref<16x128xf32, #tpu.memory_space<vmem>>, vector<16xf32>,
        %gather3A_163 = tpu.vector_load_idx %arg10[%get3A_159] : memref<10000xf32, #tpu.memory_space<vmem>>[vector<16xi32>], vector<16xf32>,
        %exp3A_164 = math.exp %get3A_162 : vector<16xf32>
        %le3A_165 = arith.constant 0.000000e+00 : f32
        %le3A_166 = vector.broadcast %le3A_165 : f32 to vector<16xf32>
        %le3A_167 = arith.cmpf ole, %exp3A_164, %le3A_166 : vector<16xf32>
        %div3A_168 = arith.divf %exp3A_164, %gather3A_163 : vector<16xf32>
        %jit3A_169 = arith.constant 0.000000e+00 : f32
        %broadcast_in_dim3A_170 = vector.broadcast %jit3A_169 : f32 to vector<16xf32>
        %select_n3A_171 = arith.select %le3A_167, %broadcast_in_dim3A_170, %div3A_168 : vector<16xi1>, vector<16xf32>
        %swap3A_172 = arith.constant 48 : index
        %swap3A_173 = tpu.vector_load %arg9[%swap3A_172] {strides = array<i32>} : memref<128xf32, #tpu.memory_space<vmem>>, vector<16xf32>,
        tpu.vector_store %arg9[%swap3A_172], %select_n3A_171 {strides = array<i32>} : memref<128xf32, #tpu.memory_space<vmem>>, vector<16xf32>,
        %get3A_174 = arith.index_cast %while3A_103 : i32 to index
        %get3A_175 = arith.constant 64 : index
        %get3A_176 = tpu.vector_load %arg6[%get3A_174, %get3A_175] {strides = array<i32>} : memref<16x128xi32, #tpu.memory_space<vmem>>, vector<16xi32>,
        %get3A_177 = arith.index_cast %while3A_103 : i32 to index
        %get3A_178 = arith.constant 64 : index
        %get3A_179 = tpu.vector_load %arg7[%get3A_177, %get3A_178] {strides = array<i32>} : memref<16x128xf32, #tpu.memory_space<vmem>>, vector<16xf32>,
        %gather3A_180 = tpu.vector_load_idx %arg10[%get3A_176] : memref<10000xf32, #tpu.memory_space<vmem>>[vector<16xi32>], vector<16xf32>,
        %exp3A_181 = math.exp %get3A_179 : vector<16xf32>
        %le3A_182 = arith.constant 0.000000e+00 : f32
        %le3A_183 = vector.broadcast %le3A_182 : f32 to vector<16xf32>
        %le3A_184 = arith.cmpf ole, %exp3A_181, %le3A_183 : vector<16xf32>
        %div3A_185 = arith.divf %exp3A_181, %gather3A_180 : vector<16xf32>
        %jit3A_186 = arith.constant 0.000000e+00 : f32
        %broadcast_in_dim3A_187 = vector.broadcast %jit3A_186 : f32 to vector<16xf32>
        %select_n3A_188 = arith.select %le3A_184, %broadcast_in_dim3A_187, %div3A_185 : vector<16xi1>, vector<16xf32>
        %swap3A_189 = arith.constant 64 : index
        %swap3A_190 = tpu.vector_load %arg9[%swap3A_189] {strides = array<i32>} : memref<128xf32, #tpu.memory_space<vmem>>, vector<16xf32>,
        tpu.vector_store %arg9[%swap3A_189], %select_n3A_188 {strides = array<i32>} : memref<128xf32, #tpu.memory_space<vmem>>, vector<16xf32>,
        %get3A_191 = arith.index_cast %while3A_103 : i32 to index
        %get3A_192 = arith.constant 80 : index
        %get3A_193 = tpu.vector_load %arg6[%get3A_191, %get3A_192] {strides = array<i32>} : memref<16x128xi32, #tpu.memory_space<vmem>>, vector<16xi32>,
        %get3A_194 = arith.index_cast %while3A_103 : i32 to index
        %get3A_195 = arith.constant 80 : index
        %get3A_196 = tpu.vector_load %arg7[%get3A_194, %get3A_195] {strides = array<i32>} : memref<16x128xf32, #tpu.memory_space<vmem>>, vector<16xf32>,
        %gather3A_197 = tpu.vector_load_idx %arg10[%get3A_193] : memref<10000xf32, #tpu.memory_space<vmem>>[vector<16xi32>], vector<16xf32>,
        %exp3A_198 = math.exp %get3A_196 : vector<16xf32>
        %le3A_199 = arith.constant 0.000000e+00 : f32
        %le3A_200 = vector.broadcast %le3A_199 : f32 to vector<16xf32>
        %le3A_201 = arith.cmpf ole, %exp3A_198, %le3A_200 : vector<16xf32>
        %div3A_202 = arith.divf %exp3A_198, %gather3A_197 : vector<16xf32>
        %jit3A_203 = arith.constant 0.000000e+00 : f32
        %broadcast_in_dim3A_204 = vector.broadcast %jit3A_203 : f32 to vector<16xf32>
        %select_n3A_205 = arith.select %le3A_201, %broadcast_in_dim3A_204, %div3A_202 : vector<16xi1>, vector<16xf32>
        %swap3A_206 = arith.constant 80 : index
        %swap3A_207 = tpu.vector_load %arg9[%swap3A_206] {strides = array<i32>} : memref<128xf32, #tpu.memory_space<vmem>>, vector<16xf32>,
        tpu.vector_store %arg9[%swap3A_206], %select_n3A_205 {strides = array<i32>} : memref<128xf32, #tpu.memory_space<vmem>>, vector<16xf32>,
        %get3A_208 = arith.index_cast %while3A_103 : i32 to index
        %get3A_209 = arith.constant 96 : index
        %get3A_210 = tpu.vector_load %arg6[%get3A_208, %get3A_209] {strides = array<i32>} : memref<16x128xi32, #tpu.memory_space<vmem>>, vector<16xi32>,
        %get3A_211 = arith.index_cast %while3A_103 : i32 to index
        %get3A_212 = arith.constant 96 : index
        %get3A_213 = tpu.vector_load %arg7[%get3A_211, %get3A_212] {strides = array<i32>} : memref<16x128xf32, #tpu.memory_space<vmem>>, vector<16xf32>,
        %gather3A_214 = tpu.vector_load_idx %arg10[%get3A_210] : memref<10000xf32, #tpu.memory_space<vmem>>[vector<16xi32>], vector<16xf32>,
        %exp3A_215 = math.exp %get3A_213 : vector<16xf32>
        %le3A_216 = arith.constant 0.000000e+00 : f32
        %le3A_217 = vector.broadcast %le3A_216 : f32 to vector<16xf32>
        %le3A_218 = arith.cmpf ole, %exp3A_215, %le3A_217 : vector<16xf32>
        %div3A_219 = arith.divf %exp3A_215, %gather3A_214 : vector<16xf32>
        %jit3A_220 = arith.constant 0.000000e+00 : f32
        %broadcast_in_dim3A_221 = vector.broadcast %jit3A_220 : f32 to vector<16xf32>
        %select_n3A_222 = arith.select %le3A_218, %broadcast_in_dim3A_221, %div3A_219 : vector<16xi1>, vector<16xf32>
        %swap3A_223 = arith.constant 96 : index
        %swap3A_224 = tpu.vector_load %arg9[%swap3A_223] {strides = array<i32>} : memref<128xf32, #tpu.memory_space<vmem>>, vector<16xf32>,
        tpu.vector_store %arg9[%swap3A_223], %select_n3A_222 {strides = array<i32>} : memref<128xf32, #tpu.memory_space<vmem>>, vector<16xf32>,
        %get3A_225 = arith.index_cast %while3A_103 : i32 to index
        %get3A_226 = arith.constant 112 : index
        %get3A_227 = tpu.vector_load %arg6[%get3A_225, %get3A_226] {strides = array<i32>} : memref<16x128xi32, #tpu.memory_space<vmem>>, vector<16xi32>,
        %get3A_228 = arith.index_cast %while3A_103 : i32 to index
        %get3A_229 = arith.constant 112 : index
        %get3A_230 = tpu.vector_load %arg7[%get3A_228, %get3A_229] {strides = array<i32>} : memref<16x128xf32, #tpu.memory_space<vmem>>, vector<16xf32>,
        %gather3A_231 = tpu.vector_load_idx %arg10[%get3A_227] : memref<10000xf32, #tpu.memory_space<vmem>>[vector<16xi32>], vector<16xf32>,
        %exp3A_232 = math.exp %get3A_230 : vector<16xf32>
        %le3A_233 = arith.constant 0.000000e+00 : f32
        %le3A_234 = vector.broadcast %le3A_233 : f32 to vector<16xf32>
        %le3A_235 = arith.cmpf ole, %exp3A_232, %le3A_234 : vector<16xf32>
        %div3A_236 = arith.divf %exp3A_232, %gather3A_231 : vector<16xf32>
        %jit3A_237 = arith.constant 0.000000e+00 : f32
        %broadcast_in_dim3A_238 = vector.broadcast %jit3A_237 : f32 to vector<16xf32>
        %select_n3A_239 = arith.select %le3A_235, %broadcast_in_dim3A_238, %div3A_236 : vector<16xi1>, vector<16xf32>
        %swap3A_240 = arith.constant 112 : index
        %swap3A_241 = tpu.vector_load %arg9[%swap3A_240] {strides = array<i32>} : memref<128xf32, #tpu.memory_space<vmem>>, vector<16xf32>,
        tpu.vector_store %arg9[%swap3A_240], %select_n3A_239 {strides = array<i32>} : memref<128xf32, #tpu.memory_space<vmem>>, vector<16xf32>,
        %scan3A_242 = arith.constant 0 : i32
        %scan3A_243 = arith.constant 0 : i32
        %scan3A_244 = arith.constant 128 : i32
        %scan3A_245 = arith.addi %scan3A_243, %scan3A_244 : i32
        %scan3A_246 = arith.constant 1 : i32
        %scan3A_247 = scf.for %scan3A_250 = %scan3A_243 to %scan3A_245 step %scan3A_246 iter_args(%scan3A_251 = %scan3A_242) -> (i32)  : i32 {
          %broadcast_in_dim3A_252 = vector.broadcast %scan3A_250 : i32 to vector<16xi32>
          %gather3A_253 = tpu.vector_load_idx %arg9[%broadcast_in_dim3A_252] : memref<128xf32, #tpu.memory_space<vmem>>[vector<16xi32>], vector<16xf32>,
          %get3A_254 = arith.index_cast %scan3A_250 : i32 to index
          %get3A_255 = arith.constant 0 : index
          %get3A_256 = tpu.vector_load %arg11[%get3A_254, %get3A_255] {strides = array<i32>} : memref<128x128xf32, #tpu.memory_space<vmem>>, vector<16xf32>,
          %mul3A_257 = arith.mulf %get3A_256, %gather3A_253 : vector<16xf32>
          %swap3A_258 = arith.index_cast %scan3A_250 : i32 to index
          %swap3A_259 = arith.constant 0 : index
          %swap3A_260 = tpu.vector_load %arg11[%swap3A_258, %swap3A_259] {strides = array<i32>} : memref<128x128xf32, #tpu.memory_space<vmem>>, vector<16xf32>,
          tpu.vector_store %arg11[%swap3A_258, %swap3A_259], %mul3A_257 {strides = array<i32>} : memref<128x128xf32, #tpu.memory_space<vmem>>, vector<16xf32>,
          %get3A_261 = arith.index_cast %scan3A_250 : i32 to index
          %get3A_262 = arith.constant 16 : index
          %get3A_263 = tpu.vector_load %arg11[%get3A_261, %get3A_262] {strides = array<i32>} : memref<128x128xf32, #tpu.memory_space<vmem>>, vector<16xf32>,
          %mul3A_264 = arith.mulf %get3A_263, %gather3A_253 : vector<16xf32>
          %swap3A_265 = arith.index_cast %scan3A_250 : i32 to index
          %swap3A_266 = arith.constant 16 : index
          %swap3A_267 = tpu.vector_load %arg11[%swap3A_265, %swap3A_266] {strides = array<i32>} : memref<128x128xf32, #tpu.memory_space<vmem>>, vector<16xf32>,
          tpu.vector_store %arg11[%swap3A_265, %swap3A_266], %mul3A_264 {strides = array<i32>} : memref<128x128xf32, #tpu.memory_space<vmem>>, vector<16xf32>,
          %get3A_268 = arith.index_cast %scan3A_250 : i32 to index
          %get3A_269 = arith.constant 32 : index
          %get3A_270 = tpu.vector_load %arg11[%get3A_268, %get3A_269] {strides = array<i32>} : memref<128x128xf32, #tpu.memory_space<vmem>>, vector<16xf32>,
          %mul3A_271 = arith.mulf %get3A_270, %gather3A_253 : vector<16xf32>
          %swap3A_272 = arith.index_cast %scan3A_250 : i32 to index
          %swap3A_273 = arith.constant 32 : index
          %swap3A_274 = tpu.vector_load %arg11[%swap3A_272, %swap3A_273] {strides = array<i32>} : memref<128x128xf32, #tpu.memory_space<vmem>>, vector<16xf32>,
          tpu.vector_store %arg11[%swap3A_272, %swap3A_273], %mul3A_271 {strides = array<i32>} : memref<128x128xf32, #tpu.memory_space<vmem>>, vector<16xf32>,
          %get3A_275 = arith.index_cast %scan3A_250 : i32 to index
          %get3A_276 = arith.constant 48 : index
          %get3A_277 = tpu.vector_load %arg11[%get3A_275, %get3A_276] {strides = array<i32>} : memref<128x128xf32, #tpu.memory_space<vmem>>, vector<16xf32>,
          %mul3A_278 = arith.mulf %get3A_277, %gather3A_253 : vector<16xf32>
          %swap3A_279 = arith.index_cast %scan3A_250 : i32 to index
          %swap3A_280 = arith.constant 48 : index
          %swap3A_281 = tpu.vector_load %arg11[%swap3A_279, %swap3A_280] {strides = array<i32>} : memref<128x128xf32, #tpu.memory_space<vmem>>, vector<16xf32>,
          tpu.vector_store %arg11[%swap3A_279, %swap3A_280], %mul3A_278 {strides = array<i32>} : memref<128x128xf32, #tpu.memory_space<vmem>>, vector<16xf32>,
          %get3A_282 = arith.index_cast %scan3A_250 : i32 to index
          %get3A_283 = arith.constant 64 : index
          %get3A_284 = tpu.vector_load %arg11[%get3A_282, %get3A_283] {strides = array<i32>} : memref<128x128xf32, #tpu.memory_space<vmem>>, vector<16xf32>,
          %mul3A_285 = arith.mulf %get3A_284, %gather3A_253 : vector<16xf32>
          %swap3A_286 = arith.index_cast %scan3A_250 : i32 to index
          %swap3A_287 = arith.constant 64 : index
          %swap3A_288 = tpu.vector_load %arg11[%swap3A_286, %swap3A_287] {strides = array<i32>} : memref<128x128xf32, #tpu.memory_space<vmem>>, vector<16xf32>,
          tpu.vector_store %arg11[%swap3A_286, %swap3A_287], %mul3A_285 {strides = array<i32>} : memref<128x128xf32, #tpu.memory_space<vmem>>, vector<16xf32>,
          %get3A_289 = arith.index_cast %scan3A_250 : i32 to index
          %get3A_290 = arith.constant 80 : index
          %get3A_291 = tpu.vector_load %arg11[%get3A_289, %get3A_290] {strides = array<i32>} : memref<128x128xf32, #tpu.memory_space<vmem>>, vector<16xf32>,
          %mul3A_292 = arith.mulf %get3A_291, %gather3A_253 : vector<16xf32>
          %swap3A_293 = arith.index_cast %scan3A_250 : i32 to index
          %swap3A_294 = arith.constant 80 : index
          %swap3A_295 = tpu.vector_load %arg11[%swap3A_293, %swap3A_294] {strides = array<i32>} : memref<128x128xf32, #tpu.memory_space<vmem>>, vector<16xf32>,
          tpu.vector_store %arg11[%swap3A_293, %swap3A_294], %mul3A_292 {strides = array<i32>} : memref<128x128xf32, #tpu.memory_space<vmem>>, vector<16xf32>,
          %get3A_296 = arith.index_cast %scan3A_250 : i32 to index
          %get3A_297 = arith.constant 96 : index
          %get3A_298 = tpu.vector_load %arg11[%get3A_296, %get3A_297] {strides = array<i32>} : memref<128x128xf32, #tpu.memory_space<vmem>>, vector<16xf32>,
          %mul3A_299 = arith.mulf %get3A_298, %gather3A_253 : vector<16xf32>
          %swap3A_300 = arith.index_cast %scan3A_250 : i32 to index
          %swap3A_301 = arith.constant 96 : index
          %swap3A_302 = tpu.vector_load %arg11[%swap3A_300, %swap3A_301] {strides = array<i32>} : memref<128x128xf32, #tpu.memory_space<vmem>>, vector<16xf32>,
          tpu.vector_store %arg11[%swap3A_300, %swap3A_301], %mul3A_299 {strides = array<i32>} : memref<128x128xf32, #tpu.memory_space<vmem>>, vector<16xf32>,
          %get3A_303 = arith.index_cast %scan3A_250 : i32 to index
          %get3A_304 = arith.constant 112 : index
          %get3A_305 = tpu.vector_load %arg11[%get3A_303, %get3A_304] {strides = array<i32>} : memref<128x128xf32, #tpu.memory_space<vmem>>, vector<16xf32>,
          %mul3A_306 = arith.mulf %get3A_305, %gather3A_253 : vector<16xf32>
          %swap3A_307 = arith.index_cast %scan3A_250 : i32 to index
          %swap3A_308 = arith.constant 112 : index
          %swap3A_309 = tpu.vector_load %arg11[%swap3A_307, %swap3A_308] {strides = array<i32>} : memref<128x128xf32, #tpu.memory_space<vmem>>, vector<16xf32>,
          tpu.vector_store %arg11[%swap3A_307, %swap3A_308], %mul3A_306 {strides = array<i32>} : memref<128x128xf32, #tpu.memory_space<vmem>>, vector<16xf32>,
          %scan3A_310 = arith.constant 0 : i32
          scf.yield %scan3A_310 : i32
        }
        %scan3A_248 = arith.constant 128 : i32
        "tpu.region"() ({
          %run_scoped3A = tpu.sem_alloc : memref<!tpu.dma_semaphore, #tpu.memory_space<semaphore_mem>>
          %dma_start3A = arith.constant 0 : i32
          %dma_start3A_250 = tpu.memref_slice %arg6[%while3A_103, %dma_start3A] : memref<16x128xi32, #tpu.memory_space<vmem>> -> memref<1x128xi32, #tpu.memory_space<vmem>>
          %dma_start3A_251 = tpu.memref_squeeze %dma_start3A_250 : memref<1x128xi32, #tpu.memory_space<vmem>> -> memref<128xi32, #tpu.memory_space<vmem>>
          %dma_start3A_252 = arith.constant 0 : i32
          %dma_start3A_253 = arith.constant 0 : i32
          %dma_start3A_254 = tpu.memref_slice %arg13[%dma_start3A_252, %dma_start3A_253] : memref<10000x128xf32, #tpu.memory_space<vmem_shared>> -> memref<10000x128xf32, #tpu.memory_space<vmem_shared>>
          tpu.enqueue_indirect_dma source(%arg11 : memref<128x128xf32, #tpu.memory_space<vmem>>) target(%dma_start3A_254 : memref<10000x128xf32, #tpu.memory_space<vmem_shared>>) offsets(%dma_start3A_251 : memref<128xi32, #tpu.memory_space<vmem>>) semaphore(%run_scoped3A : memref<!tpu.dma_semaphore, #tpu.memory_space<semaphore_mem>>) {add = true}
          %dma_wait3A = arith.constant 0 : i32
          %dma_wait3A_255 = tpu.memref_slice %arg6[%while3A_103, %dma_wait3A] : memref<16x128xi32, #tpu.memory_space<vmem>> -> memref<1x128xi32, #tpu.memory_space<vmem>>
          %dma_wait3A_256 = tpu.memref_squeeze %dma_wait3A_255 : memref<1x128xi32, #tpu.memory_space<vmem>> -> memref<128xi32, #tpu.memory_space<vmem>>
          %dma_wait3A_257 = arith.constant 0 : i32
          %dma_wait3A_258 = arith.constant 0 : i32
          %dma_wait3A_259 = tpu.memref_slice %arg13[%dma_wait3A_257, %dma_wait3A_258] : memref<10000x128xf32, #tpu.memory_space<vmem_shared>> -> memref<10000x128xf32, #tpu.memory_space<vmem_shared>>
          tpu.wait_indirect_dma semaphore(%run_scoped3A : memref<!tpu.dma_semaphore, #tpu.memory_space<semaphore_mem>>) src(%arg11 : memref<128x128xf32, #tpu.memory_space<vmem>>) dst(%dma_wait3A_259 : memref<10000x128xf32, #tpu.memory_space<vmem_shared>>)
          tpu.yield
        }) : () -> ()
        %while3A_249 = arith.constant 0 : i32
        scf.yield %while3A_249 : i32
      }
      %while3A_100 = arith.constant 1 : i32
      %while3A_101 = scf.for %while3A_103 = %while3A_97 to %while3A_93 step %while3A_100 iter_args(%while3A_104 = %while3A_99) -> (i32)  : i32 {
        %mul3A_105 = arith.constant 16 : i32
        %mul3A_106 = arith.muli %scan3A_76, %mul3A_105 : i32
        %add3A_107 = arith.addi %mul3A_106, %while3A_103 : i32
        %mul3A_108 = arith.constant 128 : i32
        %mul3A_109 = arith.muli %add3A_107, %mul3A_108 : i32
        %add3A_110 = arith.addi %mul3A_42, %mul3A_109 : i32
        "tpu.region"() ({
          %run_scoped3A = tpu.sem_alloc : memref<!tpu.dma_semaphore, #tpu.memory_space<semaphore_mem>>
          %dma_start3A = arith.constant 0 : i32
          %dma_start3A_250 = tpu.memref_slice %arg4[%add3A_110, %dma_start3A] : memref<320000x128xf32, #tpu.memory_space<hbm>> -> memref<128x128xf32, #tpu.memory_space<hbm>>
          %dma_start3A_251 = arith.constant 0 : i32
          %dma_start3A_252 = tpu.memref_slice %arg4[%add3A_110, %dma_start3A_251] : memref<320000x128xf32, #tpu.memory_space<hbm>> -> memref<128x128xf32, #tpu.memory_space<hbm>>
          tpu.enqueue_dma source(%dma_start3A_252 : memref<128x128xf32, #tpu.memory_space<hbm>>) target(%arg11 : memref<128x128xf32, #tpu.memory_space<vmem>>) target_semaphore(%run_scoped3A : memref<!tpu.dma_semaphore, #tpu.memory_space<semaphore_mem>>)
          %dma_wait3A = arith.constant 0 : i32
          %dma_wait3A_253 = tpu.memref_slice %arg4[%add3A_110, %dma_wait3A] : memref<320000x128xf32, #tpu.memory_space<hbm>> -> memref<128x128xf32, #tpu.memory_space<hbm>>
          %dma_wait3A_254 = arith.constant 0 : i32
          %dma_wait3A_255 = tpu.memref_slice %arg4[%add3A_110, %dma_wait3A_254] : memref<320000x128xf32, #tpu.memory_space<hbm>> -> memref<128x128xf32, #tpu.memory_space<hbm>>
          tpu.wait_dma2 semaphore(%run_scoped3A : memref<!tpu.dma_semaphore, #tpu.memory_space<semaphore_mem>>) src(%dma_wait3A_255 : memref<128x128xf32, #tpu.memory_space<hbm>>) dst(%arg11 : memref<128x128xf32, #tpu.memory_space<vmem>>)
          tpu.yield
        }) : () -> ()
        %get3A = arith.index_cast %while3A_103 : i32 to index
        %get3A_111 = arith.constant 0 : index
        %get3A_112 = tpu.vector_load %arg6[%get3A, %get3A_111] {strides = array<i32>} : memref<16x128xi32, #tpu.memory_space<vmem>>, vector<16xi32>,
        %get3A_113 = arith.index_cast %while3A_103 : i32 to index
        %get3A_114 = arith.constant 0 : index
        %get3A_115 = tpu.vector_load %arg7[%get3A_113, %get3A_114] {strides = array<i32>} : memref<16x128xf32, #tpu.memory_space<vmem>>, vector<16xf32>,
        %gather3A = tpu.vector_load_idx %arg10[%get3A_112] : memref<10000xf32, #tpu.memory_space<vmem>>[vector<16xi32>], vector<16xf32>,
        %exp3A = math.exp %get3A_115 : vector<16xf32>
        %le3A = arith.constant 0.000000e+00 : f32
        %le3A_116 = vector.broadcast %le3A : f32 to vector<16xf32>
        %le3A_117 = arith.cmpf ole, %exp3A, %le3A_116 : vector<16xf32>
        %div3A_118 = arith.divf %exp3A, %gather3A : vector<16xf32>
        %jit3A_119 = arith.constant 0.000000e+00 : f32
        %broadcast_in_dim3A_120 = vector.broadcast %jit3A_119 : f32 to vector<16xf32>
        %select_n3A_121 = arith.select %le3A_117, %broadcast_in_dim3A_120, %div3A_118 : vector<16xi1>, vector<16xf32>
        %swap3A = arith.constant 0 : index
        %swap3A_122 = tpu.vector_load %arg9[%swap3A] {strides = array<i32>} : memref<128xf32, #tpu.memory_space<vmem>>, vector<16xf32>,
        tpu.vector_store %arg9[%swap3A], %select_n3A_121 {strides = array<i32>} : memref<128xf32, #tpu.memory_space<vmem>>, vector<16xf32>,
        %get3A_123 = arith.index_cast %while3A_103 : i32 to index
        %get3A_124 = arith.constant 16 : index
        %get3A_125 = tpu.vector_load %arg6[%get3A_123, %get3A_124] {strides = array<i32>} : memref<16x128xi32, #tpu.memory_space<vmem>>, vector<16xi32>,
        %get3A_126 = arith.index_cast %while3A_103 : i32 to index
        %get3A_127 = arith.constant 16 : index
        %get3A_128 = tpu.vector_load %arg7[%get3A_126, %get3A_127] {strides = array<i32>} : memref<16x128xf32, #tpu.memory_space<vmem>>, vector<16xf32>,
        %gather3A_129 = tpu.vector_load_idx %arg10[%get3A_125] : memref<10000xf32, #tpu.memory_space<vmem>>[vector<16xi32>], vector<16xf32>,
        %exp3A_130 = math.exp %get3A_128 : vector<16xf32>
        %le3A_131 = arith.constant 0.000000e+00 : f32
        %le3A_132 = vector.broadcast %le3A_131 : f32 to vector<16xf32>
        %le3A_133 = arith.cmpf ole, %exp3A_130, %le3A_132 : vector<16xf32>
        %div3A_134 = arith.divf %exp3A_130, %gather3A_129 : vector<16xf32>
        %jit3A_135 = arith.constant 0.000000e+00 : f32
        %broadcast_in_dim3A_136 = vector.broadcast %jit3A_135 : f32 to vector<16xf32>
        %select_n3A_137 = arith.select %le3A_133, %broadcast_in_dim3A_136, %div3A_134 : vector<16xi1>, vector<16xf32>
        %swap3A_138 = arith.constant 16 : index
        %swap3A_139 = tpu.vector_load %arg9[%swap3A_138] {strides = array<i32>} : memref<128xf32, #tpu.memory_space<vmem>>, vector<16xf32>,
        tpu.vector_store %arg9[%swap3A_138], %select_n3A_137 {strides = array<i32>} : memref<128xf32, #tpu.memory_space<vmem>>, vector<16xf32>,
        %get3A_140 = arith.index_cast %while3A_103 : i32 to index
        %get3A_141 = arith.constant 32 : index
        %get3A_142 = tpu.vector_load %arg6[%get3A_140, %get3A_141] {strides = array<i32>} : memref<16x128xi32, #tpu.memory_space<vmem>>, vector<16xi32>,
        %get3A_143 = arith.index_cast %while3A_103 : i32 to index
        %get3A_144 = arith.constant 32 : index
        %get3A_145 = tpu.vector_load %arg7[%get3A_143, %get3A_144] {strides = array<i32>} : memref<16x128xf32, #tpu.memory_space<vmem>>, vector<16xf32>,
        %gather3A_146 = tpu.vector_load_idx %arg10[%get3A_142] : memref<10000xf32, #tpu.memory_space<vmem>>[vector<16xi32>], vector<16xf32>,
        %exp3A_147 = math.exp %get3A_145 : vector<16xf32>
        %le3A_148 = arith.constant 0.000000e+00 : f32
        %le3A_149 = vector.broadcast %le3A_148 : f32 to vector<16xf32>
        %le3A_150 = arith.cmpf ole, %exp3A_147, %le3A_149 : vector<16xf32>
        %div3A_151 = arith.divf %exp3A_147, %gather3A_146 : vector<16xf32>
        %jit3A_152 = arith.constant 0.000000e+00 : f32
        %broadcast_in_dim3A_153 = vector.broadcast %jit3A_152 : f32 to vector<16xf32>
        %select_n3A_154 = arith.select %le3A_150, %broadcast_in_dim3A_153, %div3A_151 : vector<16xi1>, vector<16xf32>
        %swap3A_155 = arith.constant 32 : index
        %swap3A_156 = tpu.vector_load %arg9[%swap3A_155] {strides = array<i32>} : memref<128xf32, #tpu.memory_space<vmem>>, vector<16xf32>,
        tpu.vector_store %arg9[%swap3A_155], %select_n3A_154 {strides = array<i32>} : memref<128xf32, #tpu.memory_space<vmem>>, vector<16xf32>,
        %get3A_157 = arith.index_cast %while3A_103 : i32 to index
        %get3A_158 = arith.constant 48 : index
        %get3A_159 = tpu.vector_load %arg6[%get3A_157, %get3A_158] {strides = array<i32>} : memref<16x128xi32, #tpu.memory_space<vmem>>, vector<16xi32>,
        %get3A_160 = arith.index_cast %while3A_103 : i32 to index
        %get3A_161 = arith.constant 48 : index
        %get3A_162 = tpu.vector_load %arg7[%get3A_160, %get3A_161] {strides = array<i32>} : memref<16x128xf32, #tpu.memory_space<vmem>>, vector<16xf32>,
        %gather3A_163 = tpu.vector_load_idx %arg10[%get3A_159] : memref<10000xf32, #tpu.memory_space<vmem>>[vector<16xi32>], vector<16xf32>,
        %exp3A_164 = math.exp %get3A_162 : vector<16xf32>
        %le3A_165 = arith.constant 0.000000e+00 : f32
        %le3A_166 = vector.broadcast %le3A_165 : f32 to vector<16xf32>
        %le3A_167 = arith.cmpf ole, %exp3A_164, %le3A_166 : vector<16xf32>
        %div3A_168 = arith.divf %exp3A_164, %gather3A_163 : vector<16xf32>
        %jit3A_169 = arith.constant 0.000000e+00 : f32
        %broadcast_in_dim3A_170 = vector.broadcast %jit3A_169 : f32 to vector<16xf32>
        %select_n3A_171 = arith.select %le3A_167, %broadcast_in_dim3A_170, %div3A_168 : vector<16xi1>, vector<16xf32>
        %swap3A_172 = arith.constant 48 : index
        %swap3A_173 = tpu.vector_load %arg9[%swap3A_172] {strides = array<i32>} : memref<128xf32, #tpu.memory_space<vmem>>, vector<16xf32>,
        tpu.vector_store %arg9[%swap3A_172], %select_n3A_171 {strides = array<i32>} : memref<128xf32, #tpu.memory_space<vmem>>, vector<16xf32>,
        %get3A_174 = arith.index_cast %while3A_103 : i32 to index
        %get3A_175 = arith.constant 64 : index
        %get3A_176 = tpu.vector_load %arg6[%get3A_174, %get3A_175] {strides = array<i32>} : memref<16x128xi32, #tpu.memory_space<vmem>>, vector<16xi32>,
        %get3A_177 = arith.index_cast %while3A_103 : i32 to index
        %get3A_178 = arith.constant 64 : index
        %get3A_179 = tpu.vector_load %arg7[%get3A_177, %get3A_178] {strides = array<i32>} : memref<16x128xf32, #tpu.memory_space<vmem>>, vector<16xf32>,
        %gather3A_180 = tpu.vector_load_idx %arg10[%get3A_176] : memref<10000xf32, #tpu.memory_space<vmem>>[vector<16xi32>], vector<16xf32>,
        %exp3A_181 = math.exp %get3A_179 : vector<16xf32>
        %le3A_182 = arith.constant 0.000000e+00 : f32
        %le3A_183 = vector.broadcast %le3A_182 : f32 to vector<16xf32>
        %le3A_184 = arith.cmpf ole, %exp3A_181, %le3A_183 : vector<16xf32>
        %div3A_185 = arith.divf %exp3A_181, %gather3A_180 : vector<16xf32>
        %jit3A_186 = arith.constant 0.000000e+00 : f32
        %broadcast_in_dim3A_187 = vector.broadcast %jit3A_186 : f32 to vector<16xf32>
        %select_n3A_188 = arith.select %le3A_184, %broadcast_in_dim3A_187, %div3A_185 : vector<16xi1>, vector<16xf32>
        %swap3A_189 = arith.constant 64 : index
        %swap3A_190 = tpu.vector_load %arg9[%swap3A_189] {strides = array<i32>} : memref<128xf32, #tpu.memory_space<vmem>>, vector<16xf32>,
        tpu.vector_store %arg9[%swap3A_189], %select_n3A_188 {strides = array<i32>} : memref<128xf32, #tpu.memory_space<vmem>>, vector<16xf32>,
        %get3A_191 = arith.index_cast %while3A_103 : i32 to index
        %get3A_192 = arith.constant 80 : index
        %get3A_193 = tpu.vector_load %arg6[%get3A_191, %get3A_192] {strides = array<i32>} : memref<16x128xi32, #tpu.memory_space<vmem>>, vector<16xi32>,
        %get3A_194 = arith.index_cast %while3A_103 : i32 to index
        %get3A_195 = arith.constant 80 : index
        %get3A_196 = tpu.vector_load %arg7[%get3A_194, %get3A_195] {strides = array<i32>} : memref<16x128xf32, #tpu.memory_space<vmem>>, vector<16xf32>,
        %gather3A_197 = tpu.vector_load_idx %arg10[%get3A_193] : memref<10000xf32, #tpu.memory_space<vmem>>[vector<16xi32>], vector<16xf32>,
        %exp3A_198 = math.exp %get3A_196 : vector<16xf32>
        %le3A_199 = arith.constant 0.000000e+00 : f32
        %le3A_200 = vector.broadcast %le3A_199 : f32 to vector<16xf32>
        %le3A_201 = arith.cmpf ole, %exp3A_198, %le3A_200 : vector<16xf32>
        %div3A_202 = arith.divf %exp3A_198, %gather3A_197 : vector<16xf32>
        %jit3A_203 = arith.constant 0.000000e+00 : f32
        %broadcast_in_dim3A_204 = vector.broadcast %jit3A_203 : f32 to vector<16xf32>
        %select_n3A_205 = arith.select %le3A_201, %broadcast_in_dim3A_204, %div3A_202 : vector<16xi1>, vector<16xf32>
        %swap3A_206 = arith.constant 80 : index
        %swap3A_207 = tpu.vector_load %arg9[%swap3A_206] {strides = array<i32>} : memref<128xf32, #tpu.memory_space<vmem>>, vector<16xf32>,
        tpu.vector_store %arg9[%swap3A_206], %select_n3A_205 {strides = array<i32>} : memref<128xf32, #tpu.memory_space<vmem>>, vector<16xf32>,
        %get3A_208 = arith.index_cast %while3A_103 : i32 to index
        %get3A_209 = arith.constant 96 : index
        %get3A_210 = tpu.vector_load %arg6[%get3A_208, %get3A_209] {strides = array<i32>} : memref<16x128xi32, #tpu.memory_space<vmem>>, vector<16xi32>,
        %get3A_211 = arith.index_cast %while3A_103 : i32 to index
        %get3A_212 = arith.constant 96 : index
        %get3A_213 = tpu.vector_load %arg7[%get3A_211, %get3A_212] {strides = array<i32>} : memref<16x128xf32, #tpu.memory_space<vmem>>, vector<16xf32>,
        %gather3A_214 = tpu.vector_load_idx %arg10[%get3A_210] : memref<10000xf32, #tpu.memory_space<vmem>>[vector<16xi32>], vector<16xf32>,
        %exp3A_215 = math.exp %get3A_213 : vector<16xf32>
        %le3A_216 = arith.constant 0.000000e+00 : f32
        %le3A_217 = vector.broadcast %le3A_216 : f32 to vector<16xf32>
        %le3A_218 = arith.cmpf ole, %exp3A_215, %le3A_217 : vector<16xf32>
        %div3A_219 = arith.divf %exp3A_215, %gather3A_214 : vector<16xf32>
        %jit3A_220 = arith.constant 0.000000e+00 : f32
        %broadcast_in_dim3A_221 = vector.broadcast %jit3A_220 : f32 to vector<16xf32>
        %select_n3A_222 = arith.select %le3A_218, %broadcast_in_dim3A_221, %div3A_219 : vector<16xi1>, vector<16xf32>
        %swap3A_223 = arith.constant 96 : index
        %swap3A_224 = tpu.vector_load %arg9[%swap3A_223] {strides = array<i32>} : memref<128xf32, #tpu.memory_space<vmem>>, vector<16xf32>,
        tpu.vector_store %arg9[%swap3A_223], %select_n3A_222 {strides = array<i32>} : memref<128xf32, #tpu.memory_space<vmem>>, vector<16xf32>,
        %get3A_225 = arith.index_cast %while3A_103 : i32 to index
        %get3A_226 = arith.constant 112 : index
        %get3A_227 = tpu.vector_load %arg6[%get3A_225, %get3A_226] {strides = array<i32>} : memref<16x128xi32, #tpu.memory_space<vmem>>, vector<16xi32>,
        %get3A_228 = arith.index_cast %while3A_103 : i32 to index
        %get3A_229 = arith.constant 112 : index
        %get3A_230 = tpu.vector_load %arg7[%get3A_228, %get3A_229] {strides = array<i32>} : memref<16x128xf32, #tpu.memory_space<vmem>>, vector<16xf32>,
        %gather3A_231 = tpu.vector_load_idx %arg10[%get3A_227] : memref<10000xf32, #tpu.memory_space<vmem>>[vector<16xi32>], vector<16xf32>,
        %exp3A_232 = math.exp %get3A_230 : vector<16xf32>
        %le3A_233 = arith.constant 0.000000e+00 : f32
        %le3A_234 = vector.broadcast %le3A_233 : f32 to vector<16xf32>
        %le3A_235 = arith.cmpf ole, %exp3A_232, %le3A_234 : vector<16xf32>
        %div3A_236 = arith.divf %exp3A_232, %gather3A_231 : vector<16xf32>
        %jit3A_237 = arith.constant 0.000000e+00 : f32
        %broadcast_in_dim3A_238 = vector.broadcast %jit3A_237 : f32 to vector<16xf32>
        %select_n3A_239 = arith.select %le3A_235, %broadcast_in_dim3A_238, %div3A_236 : vector<16xi1>, vector<16xf32>
        %swap3A_240 = arith.constant 112 : index
        %swap3A_241 = tpu.vector_load %arg9[%swap3A_240] {strides = array<i32>} : memref<128xf32, #tpu.memory_space<vmem>>, vector<16xf32>,
        tpu.vector_store %arg9[%swap3A_240], %select_n3A_239 {strides = array<i32>} : memref<128xf32, #tpu.memory_space<vmem>>, vector<16xf32>,
        %scan3A_242 = arith.constant 0 : i32
        %scan3A_243 = arith.constant 0 : i32
        %scan3A_244 = arith.constant 128 : i32
        %scan3A_245 = arith.addi %scan3A_243, %scan3A_244 : i32
        %scan3A_246 = arith.constant 1 : i32
        %scan3A_247 = scf.for %scan3A_250 = %scan3A_243 to %scan3A_245 step %scan3A_246 iter_args(%scan3A_251 = %scan3A_242) -> (i32)  : i32 {
          %broadcast_in_dim3A_252 = vector.broadcast %scan3A_250 : i32 to vector<16xi32>
          %gather3A_253 = tpu.vector_load_idx %arg9[%broadcast_in_dim3A_252] : memref<128xf32, #tpu.memory_space<vmem>>[vector<16xi32>], vector<16xf32>,
          %get3A_254 = arith.index_cast %scan3A_250 : i32 to index
          %get3A_255 = arith.constant 0 : index
          %get3A_256 = tpu.vector_load %arg11[%get3A_254, %get3A_255] {strides = array<i32>} : memref<128x128xf32, #tpu.memory_space<vmem>>, vector<16xf32>,
          %mul3A_257 = arith.mulf %get3A_256, %gather3A_253 : vector<16xf32>
          %swap3A_258 = arith.index_cast %scan3A_250 : i32 to index
          %swap3A_259 = arith.constant 0 : index
          %swap3A_260 = tpu.vector_load %arg11[%swap3A_258, %swap3A_259] {strides = array<i32>} : memref<128x128xf32, #tpu.memory_space<vmem>>, vector<16xf32>,
          tpu.vector_store %arg11[%swap3A_258, %swap3A_259], %mul3A_257 {strides = array<i32>} : memref<128x128xf32, #tpu.memory_space<vmem>>, vector<16xf32>,
          %get3A_261 = arith.index_cast %scan3A_250 : i32 to index
          %get3A_262 = arith.constant 16 : index
          %get3A_263 = tpu.vector_load %arg11[%get3A_261, %get3A_262] {strides = array<i32>} : memref<128x128xf32, #tpu.memory_space<vmem>>, vector<16xf32>,
          %mul3A_264 = arith.mulf %get3A_263, %gather3A_253 : vector<16xf32>
          %swap3A_265 = arith.index_cast %scan3A_250 : i32 to index
          %swap3A_266 = arith.constant 16 : index
          %swap3A_267 = tpu.vector_load %arg11[%swap3A_265, %swap3A_266] {strides = array<i32>} : memref<128x128xf32, #tpu.memory_space<vmem>>, vector<16xf32>,
          tpu.vector_store %arg11[%swap3A_265, %swap3A_266], %mul3A_264 {strides = array<i32>} : memref<128x128xf32, #tpu.memory_space<vmem>>, vector<16xf32>,
          %get3A_268 = arith.index_cast %scan3A_250 : i32 to index
          %get3A_269 = arith.constant 32 : index
          %get3A_270 = tpu.vector_load %arg11[%get3A_268, %get3A_269] {strides = array<i32>} : memref<128x128xf32, #tpu.memory_space<vmem>>, vector<16xf32>,
          %mul3A_271 = arith.mulf %get3A_270, %gather3A_253 : vector<16xf32>
          %swap3A_272 = arith.index_cast %scan3A_250 : i32 to index
          %swap3A_273 = arith.constant 32 : index
          %swap3A_274 = tpu.vector_load %arg11[%swap3A_272, %swap3A_273] {strides = array<i32>} : memref<128x128xf32, #tpu.memory_space<vmem>>, vector<16xf32>,
          tpu.vector_store %arg11[%swap3A_272, %swap3A_273], %mul3A_271 {strides = array<i32>} : memref<128x128xf32, #tpu.memory_space<vmem>>, vector<16xf32>,
          %get3A_275 = arith.index_cast %scan3A_250 : i32 to index
          %get3A_276 = arith.constant 48 : index
          %get3A_277 = tpu.vector_load %arg11[%get3A_275, %get3A_276] {strides = array<i32>} : memref<128x128xf32, #tpu.memory_space<vmem>>, vector<16xf32>,
          %mul3A_278 = arith.mulf %get3A_277, %gather3A_253 : vector<16xf32>
          %swap3A_279 = arith.index_cast %scan3A_250 : i32 to index
          %swap3A_280 = arith.constant 48 : index
          %swap3A_281 = tpu.vector_load %arg11[%swap3A_279, %swap3A_280] {strides = array<i32>} : memref<128x128xf32, #tpu.memory_space<vmem>>, vector<16xf32>,
          tpu.vector_store %arg11[%swap3A_279, %swap3A_280], %mul3A_278 {strides = array<i32>} : memref<128x128xf32, #tpu.memory_space<vmem>>, vector<16xf32>,
          %get3A_282 = arith.index_cast %scan3A_250 : i32 to index
          %get3A_283 = arith.constant 64 : index
          %get3A_284 = tpu.vector_load %arg11[%get3A_282, %get3A_283] {strides = array<i32>} : memref<128x128xf32, #tpu.memory_space<vmem>>, vector<16xf32>,
          %mul3A_285 = arith.mulf %get3A_284, %gather3A_253 : vector<16xf32>
          %swap3A_286 = arith.index_cast %scan3A_250 : i32 to index
          %swap3A_287 = arith.constant 64 : index
          %swap3A_288 = tpu.vector_load %arg11[%swap3A_286, %swap3A_287] {strides = array<i32>} : memref<128x128xf32, #tpu.memory_space<vmem>>, vector<16xf32>,
          tpu.vector_store %arg11[%swap3A_286, %swap3A_287], %mul3A_285 {strides = array<i32>} : memref<128x128xf32, #tpu.memory_space<vmem>>, vector<16xf32>,
          %get3A_289 = arith.index_cast %scan3A_250 : i32 to index
          %get3A_290 = arith.constant 80 : index
          %get3A_291 = tpu.vector_load %arg11[%get3A_289, %get3A_290] {strides = array<i32>} : memref<128x128xf32, #tpu.memory_space<vmem>>, vector<16xf32>,
          %mul3A_292 = arith.mulf %get3A_291, %gather3A_253 : vector<16xf32>
          %swap3A_293 = arith.index_cast %scan3A_250 : i32 to index
          %swap3A_294 = arith.constant 80 : index
          %swap3A_295 = tpu.vector_load %arg11[%swap3A_293, %swap3A_294] {strides = array<i32>} : memref<128x128xf32, #tpu.memory_space<vmem>>, vector<16xf32>,
          tpu.vector_store %arg11[%swap3A_293, %swap3A_294], %mul3A_292 {strides = array<i32>} : memref<128x128xf32, #tpu.memory_space<vmem>>, vector<16xf32>,
          %get3A_296 = arith.index_cast %scan3A_250 : i32 to index
          %get3A_297 = arith.constant 96 : index
          %get3A_298 = tpu.vector_load %arg11[%get3A_296, %get3A_297] {strides = array<i32>} : memref<128x128xf32, #tpu.memory_space<vmem>>, vector<16xf32>,
          %mul3A_299 = arith.mulf %get3A_298, %gather3A_253 : vector<16xf32>
          %swap3A_300 = arith.index_cast %scan3A_250 : i32 to index
          %swap3A_301 = arith.constant 96 : index
          %swap3A_302 = tpu.vector_load %arg11[%swap3A_300, %swap3A_301] {strides = array<i32>} : memref<128x128xf32, #tpu.memory_space<vmem>>, vector<16xf32>,
          tpu.vector_store %arg11[%swap3A_300, %swap3A_301], %mul3A_299 {strides = array<i32>} : memref<128x128xf32, #tpu.memory_space<vmem>>, vector<16xf32>,
          %get3A_303 = arith.index_cast %scan3A_250 : i32 to index
          %get3A_304 = arith.constant 112 : index
          %get3A_305 = tpu.vector_load %arg11[%get3A_303, %get3A_304] {strides = array<i32>} : memref<128x128xf32, #tpu.memory_space<vmem>>, vector<16xf32>,
          %mul3A_306 = arith.mulf %get3A_305, %gather3A_253 : vector<16xf32>
          %swap3A_307 = arith.index_cast %scan3A_250 : i32 to index
          %swap3A_308 = arith.constant 112 : index
          %swap3A_309 = tpu.vector_load %arg11[%swap3A_307, %swap3A_308] {strides = array<i32>} : memref<128x128xf32, #tpu.memory_space<vmem>>, vector<16xf32>,
          tpu.vector_store %arg11[%swap3A_307, %swap3A_308], %mul3A_306 {strides = array<i32>} : memref<128x128xf32, #tpu.memory_space<vmem>>, vector<16xf32>,
          %scan3A_310 = arith.constant 0 : i32
          scf.yield %scan3A_310 : i32
        }
        %scan3A_248 = arith.constant 128 : i32
        "tpu.region"() ({
          %run_scoped3A = tpu.sem_alloc : memref<!tpu.dma_semaphore, #tpu.memory_space<semaphore_mem>>
          %dma_start3A = arith.constant 0 : i32
          %dma_start3A_250 = tpu.memref_slice %arg6[%while3A_103, %dma_start3A] : memref<16x128xi32, #tpu.memory_space<vmem>> -> memref<1x128xi32, #tpu.memory_space<vmem>>
          %dma_start3A_251 = tpu.memref_squeeze %dma_start3A_250 : memref<1x128xi32, #tpu.memory_space<vmem>> -> memref<128xi32, #tpu.memory_space<vmem>>
          %dma_start3A_252 = arith.constant 0 : i32
          %dma_start3A_253 = arith.constant 0 : i32
          %dma_start3A_254 = tpu.memref_slice %arg13[%dma_start3A_252, %dma_start3A_253] : memref<10000x128xf32, #tpu.memory_space<vmem_shared>> -> memref<10000x128xf32, #tpu.memory_space<vmem_shared>>
          tpu.enqueue_indirect_dma source(%arg11 : memref<128x128xf32, #tpu.memory_space<vmem>>) target(%dma_start3A_254 : memref<10000x128xf32, #tpu.memory_space<vmem_shared>>) offsets(%dma_start3A_251 : memref<128xi32, #tpu.memory_space<vmem>>) semaphore(%run_scoped3A : memref<!tpu.dma_semaphore, #tpu.memory_space<semaphore_mem>>) {add = true}
          %dma_wait3A = arith.constant 0 : i32
          %dma_wait3A_255 = tpu.memref_slice %arg6[%while3A_103, %dma_wait3A] : memref<16x128xi32, #tpu.memory_space<vmem>> -> memref<1x128xi32, #tpu.memory_space<vmem>>
          %dma_wait3A_256 = tpu.memref_squeeze %dma_wait3A_255 : memref<1x128xi32, #tpu.memory_space<vmem>> -> memref<128xi32, #tpu.memory_space<vmem>>
          %dma_wait3A_257 = arith.constant 0 : i32
          %dma_wait3A_258 = arith.constant 0 : i32
          %dma_wait3A_259 = tpu.memref_slice %arg13[%dma_wait3A_257, %dma_wait3A_258] : memref<10000x128xf32, #tpu.memory_space<vmem_shared>> -> memref<10000x128xf32, #tpu.memory_space<vmem_shared>>
          tpu.wait_indirect_dma semaphore(%run_scoped3A : memref<!tpu.dma_semaphore, #tpu.memory_space<semaphore_mem>>) src(%arg11 : memref<128x128xf32, #tpu.memory_space<vmem>>) dst(%dma_wait3A_259 : memref<10000x128xf32, #tpu.memory_space<vmem_shared>>)
          tpu.yield
        }) : () -> ()
        %while3A_249 = arith.constant 0 : i32
        scf.yield %while3A_249 : i32
      }
      %scan3A_102 = arith.constant 0 : i32
      scf.yield %scan3A_102 : i32
    }
    %scan3A_69 = arith.constant 5 : i32
    %barrier3A_70 = arith.constant 0 : index
    tpu.barrier barrier_id(%barrier3A_70)
    "tpu.region"() ({
      %run_scoped3A = tpu.sem_alloc : memref<!tpu.dma_semaphore, #tpu.memory_space<semaphore_mem>>
      %dma_start3A = arith.constant 0 : i32
      %dma_start3A_76 = tpu.memref_slice %arg5[%arg0, %mul3A_16, %dma_start3A] : memref<2x10000x128xf32, #tpu.memory_space<hbm>> -> memref<1x624x128xf32, #tpu.memory_space<hbm>>
      %dma_start3A_77 = tpu.memref_squeeze %dma_start3A_76 : memref<1x624x128xf32, #tpu.memory_space<hbm>> -> memref<624x128xf32, #tpu.memory_space<hbm>>
      %dma_start3A_78 = arith.constant 0 : i32
      %dma_start3A_79 = tpu.memref_slice %arg13[%mul3A_16, %dma_start3A_78] : memref<10000x128xf32, #tpu.memory_space<vmem_shared>> -> memref<624x128xf32, #tpu.memory_space<vmem_shared>>
      tpu.enqueue_dma source(%dma_start3A_79 : memref<624x128xf32, #tpu.memory_space<vmem_shared>>) target(%dma_start3A_77 : memref<624x128xf32, #tpu.memory_space<hbm>>) target_semaphore(%run_scoped3A : memref<!tpu.dma_semaphore, #tpu.memory_space<semaphore_mem>>)
      %dma_wait3A = arith.constant 0 : i32
      %dma_wait3A_80 = tpu.memref_slice %arg5[%arg0, %mul3A_16, %dma_wait3A] : memref<2x10000x128xf32, #tpu.memory_space<hbm>> -> memref<1x624x128xf32, #tpu.memory_space<hbm>>
      %dma_wait3A_81 = tpu.memref_squeeze %dma_wait3A_80 : memref<1x624x128xf32, #tpu.memory_space<hbm>> -> memref<624x128xf32, #tpu.memory_space<hbm>>
      %dma_wait3A_82 = arith.constant 0 : i32
      %dma_wait3A_83 = tpu.memref_slice %arg13[%mul3A_16, %dma_wait3A_82] : memref<10000x128xf32, #tpu.memory_space<vmem_shared>> -> memref<624x128xf32, #tpu.memory_space<vmem_shared>>
      tpu.wait_dma2 semaphore(%run_scoped3A : memref<!tpu.dma_semaphore, #tpu.memory_space<semaphore_mem>>) src(%dma_wait3A_83 : memref<624x128xf32, #tpu.memory_space<vmem_shared>>) dst(%dma_wait3A_81 : memref<624x128xf32, #tpu.memory_space<hbm>>)
      tpu.yield
    }) : () -> ()
    %eq3A_71 = arith.constant 0 : i32
    %eq3A_72 = arith.cmpi eq, %arg1, %eq3A_71 : i32
    %convert_element_type3A_73 = arith.extui %eq3A_72 : i1 to i32
    %cond3A_74 = arith.constant 0 : i32
    %cond3A_75 = arith.cmpi ne, %convert_element_type3A_73, %cond3A_74 : i32
    scf.if %cond3A_75 {
      "tpu.region"() ({
        %run_scoped3A = tpu.sem_alloc : memref<!tpu.dma_semaphore, #tpu.memory_space<semaphore_mem>>
        %dma_start3A = arith.constant 9984 : i32
        %dma_start3A_76 = arith.constant 0 : i32
        %dma_start3A_77 = tpu.memref_slice %arg5[%arg0, %dma_start3A, %dma_start3A_76] : memref<2x10000x128xf32, #tpu.memory_space<hbm>> -> memref<1x16x128xf32, #tpu.memory_space<hbm>>
        %dma_start3A_78 = tpu.memref_squeeze %dma_start3A_77 : memref<1x16x128xf32, #tpu.memory_space<hbm>> -> memref<16x128xf32, #tpu.memory_space<hbm>>
        %dma_start3A_79 = arith.constant 9984 : i32
        %dma_start3A_80 = arith.constant 0 : i32
        %dma_start3A_81 = tpu.memref_slice %arg13[%dma_start3A_79, %dma_start3A_80] : memref<10000x128xf32, #tpu.memory_space<vmem_shared>> -> memref<16x128xf32, #tpu.memory_space<vmem_shared>>
        tpu.enqueue_dma source(%dma_start3A_81 : memref<16x128xf32, #tpu.memory_space<vmem_shared>>) target(%dma_start3A_78 : memref<16x128xf32, #tpu.memory_space<hbm>>) target_semaphore(%run_scoped3A : memref<!tpu.dma_semaphore, #tpu.memory_space<semaphore_mem>>)
        %dma_wait3A = arith.constant 9984 : i32
        %dma_wait3A_82 = arith.constant 0 : i32
        %dma_wait3A_83 = tpu.memref_slice %arg5[%arg0, %dma_wait3A, %dma_wait3A_82] : memref<2x10000x128xf32, #tpu.memory_space<hbm>> -> memref<1x16x128xf32, #tpu.memory_space<hbm>>
        %dma_wait3A_84 = tpu.memref_squeeze %dma_wait3A_83 : memref<1x16x128xf32, #tpu.memory_space<hbm>> -> memref<16x128xf32, #tpu.memory_space<hbm>>
        %dma_wait3A_85 = arith.constant 9984 : i32
        %dma_wait3A_86 = arith.constant 0 : i32
        %dma_wait3A_87 = tpu.memref_slice %arg13[%dma_wait3A_85, %dma_wait3A_86] : memref<10000x128xf32, #tpu.memory_space<vmem_shared>> -> memref<16x128xf32, #tpu.memory_space<vmem_shared>>
        tpu.wait_dma2 semaphore(%run_scoped3A : memref<!tpu.dma_semaphore, #tpu.memory_space<semaphore_mem>>) src(%dma_wait3A_87 : memref<16x128xf32, #tpu.memory_space<vmem_shared>>) dst(%dma_wait3A_84 : memref<16x128xf32, #tpu.memory_space<hbm>>)
        tpu.yield
      }) : () -> ()
    } else {
    }
    return
  }
}

module attributes {stable_mosaic.version = 14 : i64} {
  func.func @_combine(%arg0: i32, %arg1: memref<2x1000x128xf32, #tpu.memory_space<vmem>>, %arg2: memref<1000x128xf32, #tpu.memory_space<vmem>>) attributes {dimension_semantics = [#tpu.dimension_semantics<arbitrary>], iteration_bounds = array<i64: 10>, scalar_prefetch = 0 : i64, scratch_operands = 0 : i64, tpu.core_type = #tpu.core_type<tc>, window_params = [{transform_indices = @transform_0, window_bounds = array<i64: 2, 1000, 128>}, {transform_indices = @transform_1, window_bounds = array<i64: 1000, 128>}]} {
    %get3A = arith.constant 0 : index
    %get3A_0 = arith.constant 0 : index
    %get3A_1 = arith.constant 0 : index
    %get3A_2 = vector.load %arg1[%get3A, %get3A_0, %get3A_1] : memref<2x1000x128xf32, #tpu.memory_space<vmem>>, vector<1x1000x128xf32>
    %get3A_3 = vector.shape_cast %get3A_2 : vector<1x1000x128xf32> to vector<1000x128xf32>
    %get3A_4 = arith.constant 1 : index
    %get3A_5 = arith.constant 0 : index
    %get3A_6 = arith.constant 0 : index
    %get3A_7 = vector.load %arg1[%get3A_4, %get3A_5, %get3A_6] : memref<2x1000x128xf32, #tpu.memory_space<vmem>>, vector<1x1000x128xf32>
    %get3A_8 = vector.shape_cast %get3A_7 : vector<1x1000x128xf32> to vector<1000x128xf32>
    %add3A = arith.addf %get3A_3, %get3A_8 : vector<1000x128xf32>
    %swap3A = arith.constant 0 : index
    %swap3A_9 = arith.constant 0 : index
    %swap3A_10 = vector.load %arg2[%swap3A, %swap3A_9] : memref<1000x128xf32, #tpu.memory_space<vmem>>, vector<1000x128xf32>
    tpu.vector_store %arg2[%swap3A, %swap3A_9], %add3A {strides = array<i32>} : memref<1000x128xf32, #tpu.memory_space<vmem>>, vector<1000x128xf32>,
    return
  }
  func.func @transform_0(%arg0: i32) -> (i32, i32, i32) {
    %c0_i32 = arith.constant 0 : i32
    %c0_i32_0 = arith.constant 0 : i32
    %c0_i32_1 = arith.constant 0 : i32
    return %c0_i32, %arg0, %c0_i32_0 : i32, i32, i32
  }
  func.func @transform_1(%arg0: i32) -> (i32, i32) {
    %c0_i32 = arith.constant 0 : i32
    %c0_i32_0 = arith.constant 0 : i32
    return %arg0, %c0_i32 : i32, i32
  }
}

</mosaic_0001>

<sc_bundles>
// kernel: kernel.4.cloned.1.call-start
scs
__scs_entry_jumppad:
0x0: {  	(pc) =	sbr.rel $0x88, $3  }
0x1: {  	(tag) =	ssettag $0x0;
	lr =	simm.s32 $0x1  }
0x2: {  	[smem:$0x3F9E] =	sst lr;
	_ =	strace $0xD0000000  }
0x3: {  	_ = 	snop  }
0x4: {  	_ = 	snop  }
0x5: {  	_ = 	snop  }
0x6: {  	_ = 	snop  }
0x7: {  	_ = 	snop  }
__scs_overlays_trampoline_lowered:
0x8: {  	[smem:$0x3FAD] =	sst s0  }
0x9: {  	[smem:$0x3FAE] =	sst s1  }
0xa: {  	[smem:$0x3FAF] =	sst s2  }
0xb: {  	[smem:$0x3FB0] =	sst s3  }
0xc: {  	[smem:$0x3FB1] =	sst s4  }
0xd: {  	[smem:$0x3FB2] =	sst s5  }
0xe: {  	[smem:$0x3FB3] =	sst s6  }
0xf: {  	[smem:$0x3FB4] =	sst s7  }
0x10: {  	[smem:$0x3FB5] =	sst s8  }
0x11: {  	[smem:$0x3FB6] =	sst s9;
	s0 =	simm.s32 @!p0 $0x0  }
0x12: {  	s1 =	sld [smem:$0x3F9C];
	s0 =	simm.s32 @p0 $0x1  }
0x13: {  	[smem:$0x3FB7] =	sst s0;
	s0 =	simm.s32 @!p1 $0x0  }
0x14: {  	s2 =	sld [smem:$0x3F9B];
	s0 =	simm.s32 @p1 $0x1  }
0x15: {  	[smem:$0x3FB8] =	sst s0;
	s0 =	simm.s32 @!p2 $0x0  }
0x16: {  	s3 =	sld [smem:$0x3FDB];
	s0 =	simm.s32 @p2 $0x1  }
0x17: {  	s4 =	simm.s32 $0x1BF5;
	[smem:$0x3FBA] =	sst s0  }
0x18: {  	s0 =	sld [smem:$0x3F9D];
	_ =	swait.ge [sflag:s4], $0x0  }
0x19: {  	s7 =	sld [smem:$0x3F9E]  }
0x1a: {  	s8 =	sadd.s32 $0xFFFFE003, lr  }
0x1b: {  	s9 =	sadd.s32 $0xFFFFFEF7, lr;
	s5 =	simm.s32 $0xFFFFFFFF;
	p2 =	slt.u32 s8, $0xFFFFF086  }
0x1c: {  	p1 =	slt.u32 s9, $0xF7A;
	s5 =	simm.s32 @!p2 $0x0  }
0x1d: {  	s5 =	simm.s32 @p1 $0x1;
	p0 =	seq.s32 s7, s2  }
0x1e: {  	s7 =	smul.u32 @!p0 $0xF7A, s2;
	p2 =	seq.s32 @!p0 s5, $0x0  }
0x1f: {  	s9 =	smul.u32 $0xF7A, s1;
	s8 =	simm.s32 @!p0 $0x1BF5;
	p2 =	por !p2, p0  }
0x20: {  	[sflag:s8] =	ssyncset.s32 @!p0 $0xFFFFF086;
	s6 =	sadd.s32 @!p0 s3, s7;
	s7 =	simm.s32 @!p0 $0x108  }
0x21: {  	s3 =	sadd.s32 s3, s9;
	s6 =	sadd.s32 @!p0 $0x88, s6;
	s7 =	simm.s32 @p2 $0x1082  }
0x22: {  	[simem:s7], [sflag:s8] =	dma.local @!p0 [hbm:s6], $0xF7A  }
0x23: {  	s9 =	sor.u32 $0xD0000000, s2;
	s6 =	simm.s32 $0x108;
	_ =	swait.ge @!p0 [sflag:s8], $0x0  }
0x24: {  	s3 =	sadd.s32 $0x88, s3;
	s6 =	simm.s32 @!p1 $0x1082;
	[sflag:s4] =	ssyncset.s32 $0xFFFFF086  }
0x25: {  	[simem:s6], [sflag:s4] =	dma.local [hbm:s3], $0xF7A  }
0x26: {  	[smem:$0x3F9E] =	sst s1;
	(tag) =	ssettag s2;
	_ =	strace s9  }
0x27: {  	s1 =	sld [smem:$0x3FAE]  }
0x28: {  	s2 =	sld [smem:$0x3FAF]  }
0x29: {  	s4 =	sld [smem:$0x3FB1]  }
0x2a: {  	p0 =	seq.s32 s5, $0x0;
	s5 =	sld [smem:$0x3FB2]  }
0x2b: {  	s6 =	sld [smem:$0x3FB3]  }
0x2c: {  	s7 =	sld [smem:$0x3FB4]  }
0x2d: {  	s3 =	simm.s32 $0x108;
	s8 =	sld [smem:$0x3FB5]  }
0x2e: {  	s3 =	simm.s32 @!p0 $0x1082;
	s9 =	sld [smem:$0x3FB6]  }
0x2f: {  	lr =	sadd.s32 s0, s3;
	s0 =	sld [smem:$0x3FAD]  }
0x30: {  	s3 =	sld [smem:$0x3FB0]  }
0x31: {  	[smem:$0x3FB9] =	sst s10  }
0x32: {  	s10 =	sld [smem:$0x3FB7];
	_ =	sdelay $0x3  }
0x33: {  	p0 =	seq.s32 s10, $0x1;
	s10 =	sld [smem:$0x3FB9];
	_ =	sdelay $0x3  }
0x34: {  	[smem:$0x3FB9] =	sst s10  }
0x35: {  	s10 =	sld [smem:$0x3FB8];
	_ =	sdelay $0x3  }
0x36: {  	p1 =	seq.s32 s10, $0x1;
	s10 =	sld [smem:$0x3FB9];
	_ =	sdelay $0x3  }
0x37: {  	[smem:$0x3FB9] =	sst s10  }
0x38: {  	s10 =	sld [smem:$0x3FBA]  }
0x39: {  	_ = 	snop;
	(pc) =	sbr.ind lr, $3  }
0x3a: {  	_ = 	snop  }
0x3b: {  	_ = 	snop  }
0x3c: {  	p2 =	seq.s32 s10, $0x1;
	s10 =	sld [smem:$0x3FB9]  }
0x3d: {  	_ =	shalt  }
0x3e: {  	_ =	shalt  }
0x3f: {  	_ =	shalt  }
0x40: {  	_ =	shalt  }
0x41: {  	_ =	shalt  }
0x42: {  	_ =	shalt  }
0x43: {  	_ =	shalt  }
0x44: {  	_ =	shalt  }
0x45: {  	_ =	shalt  }
0x46: {  	_ =	shalt  }
0x47: {  	_ =	shalt  }
0x48: {  	_ =	shalt  }
0x49: {  	_ =	shalt  }
0x4a: {  	_ =	shalt  }
0x4b: {  	_ =	shalt  }
0x4c: {  	_ =	shalt  }
0x4d: {  	_ =	shalt  }
0x4e: {  	_ =	shalt  }
0x4f: {  	_ =	shalt  }
0x50: {  	_ =	shalt  }
0x51: {  	_ =	shalt  }
0x52: {  	_ =	shalt  }
0x53: {  	_ =	shalt  }
0x54: {  	_ =	shalt  }
0x55: {  	_ =	shalt  }
0x56: {  	_ =	shalt  }
0x57: {  	_ =	shalt  }
0x58: {  	_ =	shalt  }
0x59: {  	_ =	shalt  }
0x5a: {  	_ =	shalt  }
0x5b: {  	_ =	shalt  }
0x5c: {  	_ =	shalt  }
0x5d: {  	_ =	shalt  }
0x5e: {  	_ =	shalt  }
0x5f: {  	_ =	shalt  }
0x60: {  	_ =	shalt  }
0x61: {  	_ =	shalt  }
0x62: {  	_ =	shalt  }
0x63: {  	_ =	shalt  }
0x64: {  	_ =	shalt  }
0x65: {  	_ =	shalt  }
0x66: {  	_ =	shalt  }
0x67: {  	_ =	shalt  }
0x68: {  	_ =	shalt  }
0x69: {  	_ =	shalt  }
0x6a: {  	_ =	shalt  }
0x6b: {  	_ =	shalt  }
0x6c: {  	_ =	shalt  }
0x6d: {  	_ =	shalt  }
0x6e: {  	_ =	shalt  }
0x6f: {  	_ =	shalt  }
0x70: {  	_ =	shalt  }
0x71: {  	_ =	shalt  }
0x72: {  	_ =	shalt  }
0x73: {  	_ =	shalt  }
0x74: {  	_ =	shalt  }
0x75: {  	_ =	shalt  }
0x76: {  	_ =	shalt  }
0x77: {  	_ =	shalt  }
0x78: {  	_ =	shalt  }
0x79: {  	_ =	shalt  }
0x7a: {  	_ =	shalt  }
0x7b: {  	_ =	shalt  }
0x7c: {  	_ =	shalt  }
0x7d: {  	_ =	shalt  }
0x7e: {  	_ =	shalt  }
0x7f: {  	_ =	shalt  }
0x80: {  	_ =	shalt  }
0x81: {  	_ =	shalt  }
0x82: {  	_ =	shalt  }
0x83: {  	_ =	shalt  }
0x84: {  	_ =	shalt  }
0x85: {  	_ =	shalt  }
0x86: {  	_ =	shalt  }
0x87: {  	_ =	shalt  }
.Lfunc_end0:
.L_simem_size_0:
called_computation_lowered:
.L_overlay_start_0:
0x88: {  	s2 =	sld [smem:$0x3FD9]  }
0x89: {  	s3 =	sld [smem:$0x3FFE];
	_ =	sdelay $0x1  }
0x8a: {  	s1 =	srdreg.scid  }
0x8b: {  	s0 =	sand.u32 $0x1, s1  }
0x8c: {  	s17 =	sshll.u32 s0, $0xA;
	s2 =	sadd.s32 s3, s2  }
0x8d: {  	s2 =	sadd.s32 s2, s17  }
0x8e: {  	[smem:$0x3FC5] =	sst s2  }
0x8f: {  	_ = 	snop  }
0x90: {  	s2 =	sld [smem:$0x3FC9]  }
0x91: {  	s18 =	sld [smem:$0x3FD0];
	(tm) =	ssettm $0x1  }
0x92: {  	s4 =	sld [smem:$0x3FFB];
	_ =	sdelay $0x3  }
0x93: {  	_ =	strace s4  }
0x94: {  	s4 =	sld [smem:$0x3FFC];
	_ =	sdelay $0x3  }
0x95: {  	_ =	strace s4  }
0x96: {  	s4 =	sld [smem:$0x3FFD];
	_ =	sdelay $0x3  }
0x97: {  	_ =	strace s4  }
0x98: {  	_ =	strace $0x8FFFFFFF  }
0x99: {  	s19 =	sld [smem:$0x3FDB];
	_ =	sdelay $0x1  }
0x9a: {  	s5 =	simm.s32 $_scs_section_size  }
0x9b: {  	s6 =	simm.s32 $_size__tile_overlayer_lowered;
	s7 =	simm.s32 $_tile_overlayer_lowered  }
0x9c: {  	s22 =	simm.s32 $0x1BFF;
	s21 =	sshll.u32 s7, $0x1;
	s4 =	sadd.s32 s5, s19  }
0x9d: {  	s8 =	simm.s32 $0x0;
	s20 =	sshll.u32 s6, $0x1;
	s6 =	sadd.s32 s21, s4  }
0x9e: {  	[timem:s8], [sflag:s22] =	dma.local [hbm:s6], s20  }
0x9f: {  	_ =	swait.ge [sflag:s22], s20  }
0xa0: {  	s5 =	ssub.s32 $0x0, s20;
	[sflag:s22] =	ssyncset.done $0x0  }
0xa1: {  	[sflag:s22] =	ssyncadd.s32 s5;
	_ =	sdelay $0x1  }
0xa2: {  	s23 =	simm.s32 $0x1B8B  }
0xa3: {  	_ =	swait.ge [sflag:s23], $0x1  }
0xa4: {  	[sflag:s23] =	ssyncset.done $0x0  }
0xa5: {  	s25 =	simm.s32 $0x1B8E;
	s24 =	sld [smem:$0x3FFE];
	[sflag:s23] =	ssyncadd.s32 $0xFFFFFFFF  }
0xa6: {  	s26 =	simm.s32 $execute0_lowered;
	[smem:$0x3FD2] =	sst s25  }
0xa7: {  	s6 =	sshll.u32 s26, $0x1;
	_ =	strace $0x80000046;
	[dreg:$0x1] =	wrdreg $0xFFFFFFFF  }
0xa8: {  	s28 =	simm.s32 $_size_execute0_lowered;
	s4 =	sadd.s32 s4, s6;
	[dreg:$0x0] =	wrdreg $0x0  }
0xa9: {  	s6 =	sshll.u32 s28, $0x1;
	[dreg:$0x2] =	wrdreg s4  }
0xaa: {  	[dreg:$0x3] =	wrdreg s6  }
0xab: {  	[dreg:$0x4] =	wrdreg $0xC0  }
0xac: {  	_ =	task [dreg:s8], $0x5FFFF  }
0xad: {  	[dreg:$0x1] =	wrdreg $0xFFFFFFFF  }
0xae: {  	[dreg:$0x0] =	wrdreg $0x60  }
0xaf: {  	[dreg:$0x2] =	wrdreg s18  }
0xb0: {  	[dreg:$0x3] =	wrdreg s24  }
0xb1: {  	[dreg:$0x4] =	wrdreg s2  }
0xb2: {  	[dreg:$0x5] =	wrdreg $0x7AF80  }
0xb3: {  	[dreg:$0x6] =	wrdreg $0x78800  }
0xb4: {  	[dreg:$0x7] =	wrdreg $0x9  }
0xb5: {  	_ =	task.clear_ibuf [dreg:s8], $0x8FFFF;
	_ =	strace $0x90000046  }
0xb6: {  	s29 =	simm.s32 $0x9;
	_ =	strace $0x80000048  }
0xb7: {  	_ =	swait.ge [sflag:s29], $0x1  }
0xb8: {  	[sflag:s29] =	ssyncadd.s32 $0xFFFFFFFF  }
0xb9: {  	_ =	strace $0x90000048  }
0xba: {  	_ =	sfence  }
0xbb: {  	s30 =	sld [smem:$0x0];
	_ =	sdelay $0x2  }
0xbc: {  	s31 =	sshll.u32 s1, $0xD;
	s1 =	sshrl.u32 s1, $0x2  }
0xbd: {  	s3 =	sand.u32 $0x4000, s31;
	s1 =	sadd.s32 s1, s30  }
0xbe: {  	s0 =	sor.u32 s3, s0;
	s1 =	sshll.u32 s1, $0x11  }
0xbf: {  	s0 =	sor.u32 s1, s0  }
0xc0: {  	s0 =	sadd.s32 $0x8F2B, s0  }
0xc1: {  	[sflag:s0] =	ssyncadd.remote.s32 $0x1  }
0xc2: {  	_ =	sfence.sel $0xFFFF  }
0xc3: {  	[dreg:$0x0] =	wrdreg $0xFFFFFFFF;
	(pc) =	sbr.abs _section_cstart, $3  }
0xc4: {  	[dreg:$0x1] =	wrdreg $0xFFFFFFFF  }
0xc5: {  	_ =	task.clear_ibuf [dreg:s8], $0x2FFFF;
	_ =	strace $0x9FFFFFFF  }
0xc6: {  	(tm) =	ssettm $0x7FFFFFFF  }
0xc7: {  	_ =	shalt  }
tec
execute0_lowered:
.L_overlay_start_1:
0x0: {  	(tag) =	ssettag $0x1  }
0x1: {  	s1 =	rddreg [dreg:$0x0]  }
0x2: {  	s2 =	rddreg [dreg:$0x1]  }
0x3: {  	s3 =	rddreg [dreg:$0x2]  }
0x4: {  	s4 =	rddreg [dreg:$0x3]  }
0x5: {  	s5 =	rddreg [dreg:$0x4];
	s19 =	stileid.u32  }
0x6: {  	s0 =	srdreg.scid;
	s7 =	smul.u32 $0x4E000, s19  }
0x7: {  	s0 =	sand.u32 $0x1, s0;
	s8 =	sshll.u32 s19, $0x1;
	s18 =	smul.u32 $0x13800, s19  }
0x8: {  	s6 =	simm.s32 $0x0;
	s13 =	sor.u32 s0, s8;
	s8 =	smul.u32 $0x5000, s19  }
0x9: {  	s28 =	simm.s32 $0x1100;
	s29 =	simm.s32 $0x1080;
	s24 =	smul.u32 $0x138800, s0  }
0xa: {  	[smem:$0x7FF] =	sst s6;
	s12 =	ssub.s32 $0x2, s0;
	s0 =	smul.u32 $0xFFFFD800, s0  }
0xb: {  	s11 =	sadd.s32 $0xA000, s2;
	p0 =	sne.s32 s19, $0x0;
	s10 =	smul.u32 $0x50, s13  }
0xc: {  	_ =	strace $0x80000047;
	s7 =	sshrl.u32 s7, $0x2;
	s21 =	smul.u32 $0xFFFFD800, s13  }
0xd: {  	s14 =	sshrl.u32 s12, $0x1;
	s17 =	smul.u32 $0x140000, s13;
	s9 =	sadd.s32 s7, s4  }
0xe: {  	s31 =	ssub.s32 s12, s14;
	s0 =	ssub.s32 s0, s8;
	s25 =	sadd.s32 s18, s24  }
0xf: {  	s26 =	sshrl.u32 s24, $0x3;
	s24 =	simm.s32 $0x800;
	s20 =	sadd.s32 $0x4000, s9  }
0x10: {  	s22 =	sadd.s32 $0x8000, s9;
	s23 =	sadd.s32 $0xC000, s9;
	[dreg:$0x6] =	wrdreg s20  }
0x11: {  	s15 =	sadd.s32 $0x10000, s9;
	s12 =	sadd.s32 $0x4E200, s21;
	[dreg:$0x7] =	wrdreg s22  }
0x12: {  	s0 =	sadd.s32 $0x4E200, s0;
	s13 =	sadd.s32 s11, s26;
	[dreg:$0x8] =	wrdreg s23  }
0x13: {  	s31 =	smax.u32 s31, $0x1;
	s26 =	simm.s32 $0x1000;
	[dreg:$0x9] =	wrdreg s15  }
.Ltmp0:
0x14: {  	s15 =	sadd.s32 $0x138000, s4;
	s12 =	sshrl.u32 s12, $0x7;
	(pc) =	sbr.rel .LBB2_1-.Ltmp0, $4  }
0x15: {  	s0 =	sshrl.u32 s0, $0x7;
	s30 =	sadd.s32 $0x27000, s13;
	[dreg:$0xc] =	wrdreg s31  }
0x16: {  	s22 =	simm.s32 $0x3880;
	s16 =	smin.u32 s12, $0x50;
	s12 =	sshrl.u32 s25, $0x3  }
0x17: {  	s23 =	simm.s32 $0x1;
	[dreg:$0xb] =	wrdreg s30;
	s11 =	sadd.s32 s11, s12  }
0x18: {  	v0 =	vimm.f32 $0.0e+00;
	s20 =	smin.u32 s0, $0x50;
	s25 =	simm.s32 $0x80;
	[dreg:$0xa] =	wrdreg s11  }
.LBB2_16:
0x19: {  	s0 =	stileid.u32  }
0x1a: {  	[bflag:$0x0] =	sbarrier.arrive $0xFFFF;
	s0 =	sshll.u32 s0, $0x6  }
0x1b: {  	s7 =	sshrl.u32 s9, $0x3;
	s11 =	rddreg [dreg:$0xa];
	s0 =	sor.u32 $0x1C01, s0  }
0x1c: {  	[hbm:s11], [sflag:s0] =	dma.local [spmem:s7], $0x2700  }
0x1d: {  	_ =	swait.ge [sflag:s23], $0x2700  }
0x1e: {  	[sflag:s23] =	ssyncset.done $0x0  }
0x1f: {  	s7 =	sshrl.u32 @!p0 s15, $0x3;
	s11 =	rddreg [dreg:$0xb];
	[sflag:s23] =	ssyncadd.s32 $0xFFFFD900  }
0x20: {  	[hbm:s11], [sflag:s0] =	dma.local @!p0 [spmem:s7], $0x100  }
0x21: {  	s0 =	simm.s32 @!p0 $0x1  }
0x22: {  	_ =	swait.ge @!p0 [sflag:s0], $0x100  }
0x23: {  	s6 =	sadd.s32 $0x1, s6;
	s31 =	rddreg [dreg:$0xc]  }
0x24: {  	p1 =	sne.s32 s6, s31  }
.Ltmp1:
0x25: {  	_ = 	snop;
	(pc) =	sbr.rel @!p1 .LBB2_17-.Ltmp1, $3  }
0x26: {  	_ =	sdelay $0x1  }
0x27: {  	[sflag:s0] =	ssyncset.done @!p0 $0x0  }
0x28: {  	[sflag:s0] =	ssyncadd.s32 @!p0 $0xFFFFFF00  }
.LBB2_1:
0x29: {  	s0 =	simm.s32 $0x0;
	s7 =	simm.s32 $0x200  }
.LBB2_2:
0x2a: {  	p1 =	sne.s32 s7, $0xFE00;
	[tilespmem:s0+$0x38F0] =	vst v0  }
0x2b: {  	[tilespmem:s0+$0x3880] =	vst v0  }
0x2c: {  	[tilespmem:s0+$0x3890] =	vst v0  }
.Ltmp2:
0x2d: {  	[tilespmem:s0+$0x38A0] =	vst v0;
	(pc) =	sbr.rel @p1 .LBB2_2-.Ltmp2, $4  }
0x2e: {  	[tilespmem:s0+$0x38B0] =	vst v0  }
0x2f: {  	[tilespmem:s0+$0x38C0] =	vst v0  }
0x30: {  	[tilespmem:s0+$0x38D0] =	vst v0  }
0x31: {  	[tilespmem:s0+$0x38E0] =	vst v0;
	s0 =	sshra.s32 s7, $0x2;
	s7 =	sadd.s32 $0x200, s7  }
0x32: {  	[tilespmem:s0+$0x38F0] =	vst v0  }
0x33: {  	[tilespmem:s0+$0x3880] =	vst v0  }
0x34: {  	[tilespmem:s0+$0x3890] =	vst v0  }
0x35: {  	[tilespmem:s0+$0x38A0] =	vst v0  }
0x36: {  	[tilespmem:s0+$0x38B0] =	vst v0  }
0x37: {  	[tilespmem:s0+$0x38C0] =	vst v0  }
0x38: {  	[tilespmem:s0+$0x38D0] =	vst v0  }
0x39: {  	[tilespmem:s0+$0x38E0] =	vst v0;
	s0 =	simm.s32 $0x40;
	s7 =	simm.s32 $0x0  }
.LBB2_4:
0x3a: {  	p1 =	sne.s32 s0, $0x9C00;
	[tilespmem:s7+$0x1100] =	vst v0;
	s7 =	smov.u32 s0;
	s0 =	sadd.s32 $0x40, s0  }
.Ltmp3:
0x3b: {  	(pc) =	sbr.rel @p1 .LBB2_4-.Ltmp3, $2  }
0x3c: {  	_ =	sdelay $0x2  }
0x3d: {  	s7 =	sshra.s32 s7, $0x2  }
0x3e: {  	[tilespmem:s7+$0x1100] =	vst v0  }
0x3f: {  	[spmem:s9] =	stream.linear.scatter [tilespmem:s22], [sflag:$0x1], $0x4000, $0x38;
	[tilespmem:$0x1B378] =	vst v63  }
0x40: {  	_ =	swait.ge [sflag:s23], $0x4000  }
0x41: {  	[sflag:s23] =	ssyncset.done $0x0  }
0x42: {  	s0 =	rddreg [dreg:$0x6];
	[sflag:s23] =	ssyncadd.s32 $0xFFFFC000  }
0x43: {  	[spmem:s0] =	stream.linear.scatter [tilespmem:s22], [sflag:$0x1], $0x4000, $0x38;
	[tilespmem:$0x1B378] =	vst v63  }
0x44: {  	_ =	swait.ge [sflag:s23], $0x4000  }
0x45: {  	[sflag:s23] =	ssyncset.done $0x0  }
0x46: {  	s18 =	rddreg [dreg:$0x7];
	[sflag:s23] =	ssyncadd.s32 $0xFFFFC000  }
0x47: {  	[spmem:s18] =	stream.linear.scatter [tilespmem:s22], [sflag:$0x1], $0x4000, $0x38;
	[tilespmem:$0x1B378] =	vst v63  }
0x48: {  	_ =	swait.ge [sflag:s23], $0x4000  }
0x49: {  	[sflag:s23] =	ssyncset.done $0x0  }
0x4a: {  	s19 =	rddreg [dreg:$0x8];
	[sflag:s23] =	ssyncadd.s32 $0xFFFFC000  }
0x4b: {  	[spmem:s19] =	stream.linear.scatter [tilespmem:s22], [sflag:$0x1], $0x4000, $0x38;
	[tilespmem:$0x1B378] =	vst v63  }
0x4c: {  	_ =	swait.ge [sflag:s23], $0x4000  }
0x4d: {  	[sflag:s23] =	ssyncset.done $0x0  }
0x4e: {  	s21 =	rddreg [dreg:$0x9];
	[sflag:s23] =	ssyncadd.s32 $0xFFFFC000  }
0x4f: {  	[spmem:s21] =	stream.linear.scatter [tilespmem:s22], [sflag:$0x1], $0x3800, $0x38;
	[tilespmem:$0x1B378] =	vst v63  }
0x50: {  	_ =	swait.ge [sflag:s23], $0x3800  }
0x51: {  	[sflag:s23] =	ssyncset.done $0x0  }
0x52: {  	s0 =	simm.s32 @!p0 $0x1100;
	[sflag:s23] =	ssyncadd.s32 $0xFFFFC800  }
0x53: {  	[spmem:s5] =	stream.linear.scatter @!p0 [tilespmem:s0], [sflag:$0x1], $0x2780, $0x38;
	[tilespmem:$0x1B378] =	vst v63  }
0x54: {  	s0 =	simm.s32 @!p0 $0x1  }
0x55: {  	_ =	swait.ge @!p0 [sflag:s0], $0x2780  }
0x56: {  	[sflag:s0] =	ssyncset.done @!p0 $0x0  }
0x57: {  	s7 =	simm.s32 @!p0 $0x3880;
	[sflag:s0] =	ssyncadd.s32 @!p0 $0xFFFFD880  }
0x58: {  	[spmem:s15] =	stream.linear.scatter @!p0 [tilespmem:s7], [sflag:$0x1], $0x800, $0x38;
	[tilespmem:$0x1B378] =	vst v63  }
0x59: {  	_ =	swait.ge @!p0 [sflag:s0], $0x800  }
0x5a: {  	[sflag:s0] =	ssyncset.done @!p0 $0x0  }
0x5b: {  	[sflag:s0] =	ssyncadd.s32 @!p0 $0xFFFFF800  }
0x5c: {  	s30 =	simm.s32 $0x0;
	s31 =	simm.s32 $0x0;
	[bflag:$0x0] =	sbarrier.arrive $0xFFFF  }
.LBB2_6:
0x5d: {  	s0 =	sshll.u32 s31, $0xB  }
0x5e: {  	s0 =	sadd.s32 s8, s0  }
0x5f: {  	s0 =	sshrl.u32 s0, $0x3  }
0x60: {  	s7 =	sadd.s32 s1, s0  }
0x61: {  	[tilespmem:s30], [sflag:$0x1] =	stream.linear.gather [hbm4b:s7+s30], $0x800, $0x38;
	[tilespmem:$0x1B378] =	vst v63  }
0x62: {  	_ =	swait.ge [sflag:s23], $0x800  }
0x63: {  	[sflag:s23] =	ssyncset.done $0x0  }
0x64: {  	s0 =	sadd.s32 s2, s0;
	[sflag:s23] =	ssyncadd.s32 $0xFFFFF800  }
0x65: {  	[tilespmem:s24], [sflag:$0x1] =	stream.linear.gather [hbm4b:s0+s30], $0x800, $0x38;
	[tilespmem:$0x1B378] =	vst v63  }
0x66: {  	_ =	swait.ge [sflag:s23], $0x800  }
0x67: {  	[sflag:s23] =	ssyncset.done $0x0  }
0x68: {  	s21 =	simm.s32 $0x0;
	[sflag:s23] =	ssyncadd.s32 $0xFFFFF800  }
0x69: {  	v1 =	vld [tilespmem:s21+$0x800];
	_ =	sdelay $0x4  }
0x6a: {  	v1 =	vmul.f32 $1.442695020e+00, v1;
	_ =	sdelay $0x1  }
0x6b: {  	(erf) = vpow2.f32 v1;
	_ =	sdelay $0x8  }
0x6c: {  	v1 =	vpop (erf)  }
0x6d: {  	[tilespmem:$0x1000] =	vst v1  }
0x6e: {  	v1 =	vld [tilespmem:s21+$0x810];
	_ =	sdelay $0x4  }
0x6f: {  	v1 =	vmul.f32 $1.442695020e+00, v1;
	_ =	sdelay $0x1  }
0x70: {  	(erf) = vpow2.f32 v1;
	_ =	sdelay $0x8  }
0x71: {  	v1 =	vpop (erf)  }
0x72: {  	[tilespmem:$0x1010] =	vst v1  }
0x73: {  	v1 =	vld [tilespmem:s21+$0x820];
	_ =	sdelay $0x4  }
0x74: {  	v1 =	vmul.f32 $1.442695020e+00, v1;
	_ =	sdelay $0x1  }
0x75: {  	(erf) = vpow2.f32 v1;
	_ =	sdelay $0x8  }
0x76: {  	v1 =	vpop (erf)  }
0x77: {  	[tilespmem:$0x1020] =	vst v1  }
0x78: {  	v1 =	vld [tilespmem:s21+$0x830];
	_ =	sdelay $0x4  }
0x79: {  	v1 =	vmul.f32 $1.442695020e+00, v1;
	_ =	sdelay $0x1  }
0x7a: {  	(erf) = vpow2.f32 v1;
	_ =	sdelay $0x8  }
0x7b: {  	v1 =	vpop (erf)  }
0x7c: {  	[tilespmem:$0x1030] =	vst v1  }
0x7d: {  	v1 =	vld [tilespmem:s21+$0x840];
	_ =	sdelay $0x4  }
0x7e: {  	v1 =	vmul.f32 $1.442695020e+00, v1;
	_ =	sdelay $0x1  }
0x7f: {  	(erf) = vpow2.f32 v1;
	_ =	sdelay $0x8  }
0x80: {  	v1 =	vpop (erf)  }
0x81: {  	[tilespmem:$0x1040] =	vst v1  }
0x82: {  	v1 =	vld [tilespmem:s21+$0x850];
	_ =	sdelay $0x4  }
0x83: {  	v1 =	vmul.f32 $1.442695020e+00, v1;
	_ =	sdelay $0x1  }
0x84: {  	(erf) = vpow2.f32 v1;
	_ =	sdelay $0x8  }
0x85: {  	v1 =	vpop (erf)  }
0x86: {  	[tilespmem:$0x1050] =	vst v1  }
0x87: {  	v1 =	vld [tilespmem:s21+$0x860];
	_ =	sdelay $0x4  }
0x88: {  	v1 =	vmul.f32 $1.442695020e+00, v1;
	_ =	sdelay $0x1  }
0x89: {  	(erf) = vpow2.f32 v1;
	_ =	sdelay $0x8  }
0x8a: {  	v1 =	vpop (erf)  }
0x8b: {  	[tilespmem:$0x1060] =	vst v1  }
0x8c: {  	v1 =	vld [tilespmem:s21+$0x870];
	_ =	sdelay $0x4  }
0x8d: {  	v1 =	vmul.f32 $1.442695020e+00, v1;
	_ =	sdelay $0x1  }
0x8e: {  	(erf) = vpow2.f32 v1;
	_ =	sdelay $0x8  }
0x8f: {  	v1 =	vpop (erf)  }
0x90: {  	[tilespmem:$0x1070] =	vst v1  }
0x91: {  	[spmem:s5] =	stream.indirect.scatter.add.f32 [tilespmem:s26], [sflag:$0x1], $0x1, s21, s25, $0xb8;
	[tilespmem:$0x1B378] =	vst v63  }
0x92: {  	_ =	swait.ge [sflag:s23], $0x80  }
0x93: {  	s12 =	simm.s32 $0x400;
	s0 =	simm.s32 $0x200;
	[sflag:s23] =	ssyncset.done $0x0  }
.LBB2_7:
0x94: {  	s11 =	sshra.s32 s0, $0x2  }
0x95: {  	[sflag:s23] =	ssyncadd.s32 $0xFFFFFF80;
	s0 =	smov.u32 s12;
	s7 =	sadd.s32 $0x200, s12  }
0x96: {  	p1 =	sne.s32 s12, $0x1E00;
	v1 =	vld [tilespmem:s11+$0x800];
	_ =	sdelay $0x4  }
0x97: {  	v1 =	vmul.f32 $1.442695020e+00, v1;
	_ =	sdelay $0x1  }
0x98: {  	(erf) = vpow2.f32 v1;
	_ =	sdelay $0x8  }
0x99: {  	v1 =	vpop (erf)  }
0x9a: {  	[tilespmem:$0x1000] =	vst v1  }
0x9b: {  	v1 =	vld [tilespmem:s11+$0x810];
	_ =	sdelay $0x4  }
0x9c: {  	v1 =	vmul.f32 $1.442695020e+00, v1;
	_ =	sdelay $0x1  }
0x9d: {  	(erf) = vpow2.f32 v1;
	_ =	sdelay $0x8  }
0x9e: {  	v1 =	vpop (erf)  }
0x9f: {  	[tilespmem:$0x1010] =	vst v1  }
0xa0: {  	v1 =	vld [tilespmem:s11+$0x820];
	_ =	sdelay $0x4  }
0xa1: {  	v1 =	vmul.f32 $1.442695020e+00, v1;
	_ =	sdelay $0x1  }
0xa2: {  	(erf) = vpow2.f32 v1;
	_ =	sdelay $0x8  }
0xa3: {  	v1 =	vpop (erf)  }
0xa4: {  	[tilespmem:$0x1020] =	vst v1  }
0xa5: {  	v1 =	vld [tilespmem:s11+$0x830];
	_ =	sdelay $0x4  }
0xa6: {  	v1 =	vmul.f32 $1.442695020e+00, v1;
	_ =	sdelay $0x1  }
0xa7: {  	(erf) = vpow2.f32 v1;
	_ =	sdelay $0x8  }
0xa8: {  	v1 =	vpop (erf)  }
0xa9: {  	[tilespmem:$0x1030] =	vst v1  }
0xaa: {  	v1 =	vld [tilespmem:s11+$0x840];
	_ =	sdelay $0x4  }
0xab: {  	v1 =	vmul.f32 $1.442695020e+00, v1;
	_ =	sdelay $0x1  }
0xac: {  	(erf) = vpow2.f32 v1;
	_ =	sdelay $0x8  }
0xad: {  	v1 =	vpop (erf)  }
0xae: {  	[tilespmem:$0x1040] =	vst v1  }
0xaf: {  	v1 =	vld [tilespmem:s11+$0x850];
	_ =	sdelay $0x4  }
0xb0: {  	v1 =	vmul.f32 $1.442695020e+00, v1;
	_ =	sdelay $0x1  }
0xb1: {  	(erf) = vpow2.f32 v1;
	_ =	sdelay $0x8  }
0xb2: {  	v1 =	vpop (erf)  }
0xb3: {  	[tilespmem:$0x1050] =	vst v1  }
0xb4: {  	v1 =	vld [tilespmem:s11+$0x860];
	_ =	sdelay $0x4  }
0xb5: {  	v1 =	vmul.f32 $1.442695020e+00, v1;
	_ =	sdelay $0x1  }
0xb6: {  	(erf) = vpow2.f32 v1;
	_ =	sdelay $0x8  }
0xb7: {  	v1 =	vpop (erf)  }
0xb8: {  	[tilespmem:$0x1060] =	vst v1  }
0xb9: {  	v1 =	vld [tilespmem:s11+$0x870];
	_ =	sdelay $0x4  }
0xba: {  	v1 =	vmul.f32 $1.442695020e+00, v1;
	_ =	sdelay $0x1  }
0xbb: {  	(erf) = vpow2.f32 v1;
	_ =	sdelay $0x8  }
.Ltmp4:
0xbc: {  	v1 =	vpop (erf);
	(pc) =	sbr.rel @p1 .LBB2_7-.Ltmp4, $4  }
0xbd: {  	[tilespmem:$0x1070] =	vst v1  }
0xbe: {  	[spmem:s5] =	stream.indirect.scatter.add.f32 [tilespmem:s26], [sflag:$0x1], $0x1, s11, s25, $0xb8;
	[tilespmem:$0x1B378] =	vst v63  }
0xbf: {  	_ =	swait.ge [sflag:s23], $0x80  }
0xc0: {  	s12 =	smov.u32 s7;
	[sflag:s23] =	ssyncset.done $0x0  }
0xc1: {  	s0 =	sshra.s32 s0, $0x2;
	[sflag:s23] =	ssyncadd.s32 $0xFFFFFF80  }
0xc2: {  	v1 =	vld [tilespmem:s0+$0x800];
	_ =	sdelay $0x4  }
0xc3: {  	v1 =	vmul.f32 $1.442695020e+00, v1;
	_ =	sdelay $0x1  }
0xc4: {  	(erf) = vpow2.f32 v1;
	_ =	sdelay $0x8  }
0xc5: {  	v1 =	vpop (erf)  }
0xc6: {  	[tilespmem:$0x1000] =	vst v1  }
0xc7: {  	v1 =	vld [tilespmem:s0+$0x810];
	_ =	sdelay $0x4  }
0xc8: {  	v1 =	vmul.f32 $1.442695020e+00, v1;
	_ =	sdelay $0x1  }
0xc9: {  	(erf) = vpow2.f32 v1;
	_ =	sdelay $0x8  }
0xca: {  	v1 =	vpop (erf)  }
0xcb: {  	[tilespmem:$0x1010] =	vst v1  }
0xcc: {  	v1 =	vld [tilespmem:s0+$0x820];
	_ =	sdelay $0x4  }
0xcd: {  	v1 =	vmul.f32 $1.442695020e+00, v1;
	_ =	sdelay $0x1  }
0xce: {  	(erf) = vpow2.f32 v1;
	_ =	sdelay $0x8  }
0xcf: {  	v1 =	vpop (erf)  }
0xd0: {  	[tilespmem:$0x1020] =	vst v1  }
0xd1: {  	v1 =	vld [tilespmem:s0+$0x830];
	_ =	sdelay $0x4  }
0xd2: {  	v1 =	vmul.f32 $1.442695020e+00, v1;
	_ =	sdelay $0x1  }
0xd3: {  	(erf) = vpow2.f32 v1;
	_ =	sdelay $0x8  }
0xd4: {  	v1 =	vpop (erf)  }
0xd5: {  	[tilespmem:$0x1030] =	vst v1  }
0xd6: {  	v1 =	vld [tilespmem:s0+$0x840];
	_ =	sdelay $0x4  }
0xd7: {  	v1 =	vmul.f32 $1.442695020e+00, v1;
	_ =	sdelay $0x1  }
0xd8: {  	(erf) = vpow2.f32 v1;
	_ =	sdelay $0x8  }
0xd9: {  	v1 =	vpop (erf)  }
0xda: {  	[tilespmem:$0x1040] =	vst v1  }
0xdb: {  	v1 =	vld [tilespmem:s0+$0x850];
	_ =	sdelay $0x4  }
0xdc: {  	v1 =	vmul.f32 $1.442695020e+00, v1;
	_ =	sdelay $0x1  }
0xdd: {  	(erf) = vpow2.f32 v1;
	_ =	sdelay $0x8  }
0xde: {  	v1 =	vpop (erf)  }
0xdf: {  	[tilespmem:$0x1050] =	vst v1  }
0xe0: {  	v1 =	vld [tilespmem:s0+$0x860];
	_ =	sdelay $0x4  }
0xe1: {  	v1 =	vmul.f32 $1.442695020e+00, v1;
	_ =	sdelay $0x1  }
0xe2: {  	(erf) = vpow2.f32 v1;
	_ =	sdelay $0x8  }
0xe3: {  	v1 =	vpop (erf)  }
0xe4: {  	[tilespmem:$0x1060] =	vst v1  }
0xe5: {  	v1 =	vld [tilespmem:s0+$0x870];
	_ =	sdelay $0x4  }
0xe6: {  	v1 =	vmul.f32 $1.442695020e+00, v1;
	_ =	sdelay $0x1  }
0xe7: {  	(erf) = vpow2.f32 v1;
	_ =	sdelay $0x7  }
0xe8: {  	s31 =	sadd.s32 $0x1, s31  }
0xe9: {  	p1 =	sne.s32 s31, $0xA;
	v1 =	vpop (erf)  }
.Ltmp5:
0xea: {  	[tilespmem:$0x1070] =	vst v1;
	(pc) =	sbr.rel @p1 .LBB2_6-.Ltmp5, $4  }
0xeb: {  	[spmem:s5] =	stream.indirect.scatter.add.f32 [tilespmem:s26], [sflag:$0x1], $0x1, s0, s25, $0xb8;
	[tilespmem:$0x1B378] =	vst v63  }
0xec: {  	_ =	swait.ge [sflag:s23], $0x80  }
0xed: {  	[sflag:s23] =	ssyncset.done $0x0  }
0xee: {  	[sflag:s23] =	ssyncadd.s32 $0xFFFFFF80  }
.Ltmp6:
0xef: {  	[bflag:$0x0] =	sbarrier.arrive $0xFFFF;
	(pc) =	sbr.rel .LBB2_10-.Ltmp6, $4  }
0xf0: {  	[tilespmem:s28], [sflag:$0x1] =	stream.linear.gather [spmem:s5], $0x2780, $0x38;
	[tilespmem:$0x1B378] =	vst v63  }
0xf1: {  	_ =	swait.ge [sflag:s23], $0x2780  }
0xf2: {  	s30 =	simm.s32 $0x0;
	[sflag:s23] =	ssyncset.done $0x0  }
0xf3: {  	s31 =	smov.u32 s20;
	s0 =	simm.s32 $0x0;
	[sflag:s23] =	ssyncadd.s32 $0xFFFFD880  }
.LBB2_15:
0xf4: {  	s0 =	sadd.s32 $0x1, s0  }
0xf5: {  	p1 =	sne.s32 s0, $0x5  }
.Ltmp7:
0xf6: {  	_ = 	snop;
	(pc) =	sbr.rel @!p1 .LBB2_16-.Ltmp7, $2  }
0xf7: {  	_ =	sdelay $0x2  }
0xf8: {  	s31 =	sadd.s32 $0xFFFFFFF0, s31  }
.LBB2_10:
0xf9: {  	s7 =	sshll.u32 s0, $0x4  }
0xfa: {  	s11 =	sadd.s32 s10, s7  }
0xfb: {  	s11 =	sshll.u32 s11, $0x4  }
0xfc: {  	s12 =	sadd.s32 s1, s11  }
0xfd: {  	[tilespmem:s30], [sflag:$0x1] =	stream.linear.gather [hbm4b:s12+s30], $0x800, $0x38;
	[tilespmem:$0x1B378] =	vst v63  }
0xfe: {  	_ =	swait.ge [sflag:s23], $0x800  }
0xff: {  	p1 =	sle.u32 s16, s7;
	[sflag:s23] =	ssyncset.done $0x0  }
.Ltmp8:
0x100: {  	s11 =	sadd.s32 s2, s11;
	[sflag:s23] =	ssyncadd.s32 $0xFFFFF800;
	(pc) =	sbr.rel @p1 .LBB2_15-.Ltmp8, $4  }
0x101: {  	[tilespmem:s24], [sflag:$0x1] =	stream.linear.gather [hbm4b:s11+s30], $0x800, $0x38;
	[tilespmem:$0x1B378] =	vst v63  }
0x102: {  	_ =	swait.ge [sflag:s23], $0x800  }
0x103: {  	[sflag:s23] =	ssyncset.done $0x0  }
0x104: {  	[sflag:s23] =	ssyncadd.s32 $0xFFFFF800  }
0x105: {  	p1 =	sgt.s32 s31, $0x1;
	s11 =	smov.u32 s31  }
0x106: {  	s11 =	simm.s32 @!p1 $0x1  }
0x107: {  	s12 =	simm.s32 $0x0;
	s11 =	smin.u32 s11, $0x10  }
.LBB2_12:
0x108: {  	s13 =	sadd.s32 s7, s12  }
0x109: {  	s13 =	sshll.u32 s13, $0xE  }
0x10a: {  	s13 =	sadd.s32 s17, s13  }
0x10b: {  	s13 =	sshrl.u32 s13, $0x3  }
0x10c: {  	s14 =	simm.s32 $0x0;
	s13 =	sadd.s32 s3, s13  }
0x10d: {  	[tilespmem:s22], [sflag:$0x1] =	stream.linear.gather [hbm4b:s13+s14], $0x4000, $0x38;
	[tilespmem:$0x1B378] =	vst v63  }
0x10e: {  	_ =	swait.ge [sflag:s23], $0x4000  }
0x10f: {  	[sflag:s23] =	ssyncset.done $0x0  }
0x110: {  	s13 =	sshll.u32 s12, $0x7;
	[sflag:s23] =	ssyncadd.s32 $0xFFFFC000  }
0x111: {  	v1 =	vld [tilespmem:s13+$0x0];
	_ =	sdelay $0x4  }
0x112: {  	v2 =	vld [tilespmem:s13+$0x800];
	_ =	sdelay $0x2  }
0x113: {  	v1 =	vld.idx.msk [tilespmem:v1+s28+$0x0], $0xffff;
	_ =	sdelay $0x1  }
0x114: {  	v2 =	vmul.f32 $1.442695020e+00, v2;
	_ =	sdelay $0x1  }
0x115: {  	(erf) = vpow2.f32 v2  }
0x116: {  	(erf) = vrcp.f32 v1;
	_ =	sdelay $0x7  }
0x117: {  	v1 =	vpop (erf)  }
0x118: {  	v2 =	vpop (erf)  }
0x119: {  	v2 =	vmul.f32 v2, v1  }
0x11a: {  	vm0 =	vle.f32 v1, $0.0e+00  }
0x11b: {  	v1 =	vsel vm0, $0x0, v2  }
0x11c: {  	[tilespmem:$0x1080] =	vst v1  }
0x11d: {  	v1 =	vld [tilespmem:s13+$0x10];
	_ =	sdelay $0x4  }
0x11e: {  	v2 =	vld [tilespmem:s13+$0x810];
	_ =	sdelay $0x2  }
0x11f: {  	v1 =	vld.idx.msk [tilespmem:v1+s28+$0x0], $0xffff;
	_ =	sdelay $0x1  }
0x120: {  	v2 =	vmul.f32 $1.442695020e+00, v2;
	_ =	sdelay $0x1  }
0x121: {  	(erf) = vpow2.f32 v2  }
0x122: {  	(erf) = vrcp.f32 v1;
	_ =	sdelay $0x7  }
0x123: {  	v1 =	vpop (erf)  }
0x124: {  	v2 =	vpop (erf)  }
0x125: {  	v2 =	vmul.f32 v2, v1  }
0x126: {  	vm9 =	vle.f32 v1, $0.0e+00  }
0x127: {  	v1 =	vsel vm9, $0x0, v2  }
0x128: {  	[tilespmem:$0x1090] =	vst v1  }
0x129: {  	v1 =	vld [tilespmem:s13+$0x20];
	_ =	sdelay $0x4  }
0x12a: {  	v2 =	vld [tilespmem:s13+$0x820];
	_ =	sdelay $0x2  }
0x12b: {  	v1 =	vld.idx.msk [tilespmem:v1+s28+$0x0], $0xffff;
	_ =	sdelay $0x1  }
0x12c: {  	v2 =	vmul.f32 $1.442695020e+00, v2;
	_ =	sdelay $0x1  }
0x12d: {  	(erf) = vpow2.f32 v2  }
0x12e: {  	(erf) = vrcp.f32 v1;
	_ =	sdelay $0x7  }
0x12f: {  	v1 =	vpop (erf)  }
0x130: {  	v2 =	vpop (erf)  }
0x131: {  	v2 =	vmul.f32 v2, v1  }
0x132: {  	vm10 =	vle.f32 v1, $0.0e+00  }
0x133: {  	v1 =	vsel vm10, $0x0, v2  }
0x134: {  	[tilespmem:$0x10A0] =	vst v1  }
0x135: {  	v1 =	vld [tilespmem:s13+$0x30];
	_ =	sdelay $0x4  }
0x136: {  	v2 =	vld [tilespmem:s13+$0x830];
	_ =	sdelay $0x2  }
0x137: {  	v1 =	vld.idx.msk [tilespmem:v1+s28+$0x0], $0xffff;
	_ =	sdelay $0x1  }
0x138: {  	v2 =	vmul.f32 $1.442695020e+00, v2;
	_ =	sdelay $0x1  }
0x139: {  	(erf) = vpow2.f32 v2  }
0x13a: {  	(erf) = vrcp.f32 v1;
	_ =	sdelay $0x7  }
0x13b: {  	v1 =	vpop (erf)  }
0x13c: {  	v2 =	vpop (erf)  }
0x13d: {  	v2 =	vmul.f32 v2, v1  }
0x13e: {  	vm11 =	vle.f32 v1, $0.0e+00  }
0x13f: {  	v1 =	vsel vm11, $0x0, v2  }
0x140: {  	[tilespmem:$0x10B0] =	vst v1  }
0x141: {  	v1 =	vld [tilespmem:s13+$0x40];
	_ =	sdelay $0x4  }
0x142: {  	v2 =	vld [tilespmem:s13+$0x840];
	_ =	sdelay $0x2  }
0x143: {  	v1 =	vld.idx.msk [tilespmem:v1+s28+$0x0], $0xffff;
	_ =	sdelay $0x1  }
0x144: {  	v2 =	vmul.f32 $1.442695020e+00, v2;
	_ =	sdelay $0x1  }
0x145: {  	(erf) = vpow2.f32 v2  }
0x146: {  	(erf) = vrcp.f32 v1;
	_ =	sdelay $0x7  }
0x147: {  	v1 =	vpop (erf)  }
0x148: {  	v2 =	vpop (erf)  }
0x149: {  	v2 =	vmul.f32 v2, v1  }
0x14a: {  	vm12 =	vle.f32 v1, $0.0e+00  }
0x14b: {  	v1 =	vsel vm12, $0x0, v2  }
0x14c: {  	[tilespmem:$0x10C0] =	vst v1  }
0x14d: {  	v1 =	vld [tilespmem:s13+$0x50];
	_ =	sdelay $0x4  }
0x14e: {  	v2 =	vld [tilespmem:s13+$0x850];
	_ =	sdelay $0x2  }
0x14f: {  	v1 =	vld.idx.msk [tilespmem:v1+s28+$0x0], $0xffff;
	_ =	sdelay $0x1  }
0x150: {  	v2 =	vmul.f32 $1.442695020e+00, v2;
	_ =	sdelay $0x1  }
0x151: {  	(erf) = vpow2.f32 v2  }
0x152: {  	(erf) = vrcp.f32 v1;
	_ =	sdelay $0x7  }
0x153: {  	v1 =	vpop (erf)  }
0x154: {  	v2 =	vpop (erf)  }
0x155: {  	v2 =	vmul.f32 v2, v1  }
0x156: {  	vm13 =	vle.f32 v1, $0.0e+00  }
0x157: {  	v1 =	vsel vm13, $0x0, v2  }
0x158: {  	[tilespmem:$0x10D0] =	vst v1  }
0x159: {  	v1 =	vld [tilespmem:s13+$0x60];
	_ =	sdelay $0x4  }
0x15a: {  	v2 =	vld [tilespmem:s13+$0x860];
	_ =	sdelay $0x2  }
0x15b: {  	v1 =	vld.idx.msk [tilespmem:v1+s28+$0x0], $0xffff;
	_ =	sdelay $0x1  }
0x15c: {  	v2 =	vmul.f32 $1.442695020e+00, v2;
	_ =	sdelay $0x1  }
0x15d: {  	(erf) = vpow2.f32 v2  }
0x15e: {  	(erf) = vrcp.f32 v1;
	_ =	sdelay $0x7  }
0x15f: {  	v1 =	vpop (erf)  }
0x160: {  	v2 =	vpop (erf)  }
0x161: {  	v2 =	vmul.f32 v2, v1  }
0x162: {  	vm14 =	vle.f32 v1, $0.0e+00  }
0x163: {  	v1 =	vsel vm14, $0x0, v2  }
0x164: {  	[tilespmem:$0x10E0] =	vst v1  }
0x165: {  	v1 =	vld [tilespmem:s13+$0x70];
	_ =	sdelay $0x4  }
0x166: {  	v2 =	vld [tilespmem:s13+$0x870];
	_ =	sdelay $0x2  }
0x167: {  	v1 =	vld.idx.msk [tilespmem:v1+s28+$0x0], $0xffff;
	_ =	sdelay $0x1  }
0x168: {  	v2 =	vmul.f32 $1.442695020e+00, v2;
	_ =	sdelay $0x1  }
0x169: {  	(erf) = vpow2.f32 v2  }
0x16a: {  	(erf) = vrcp.f32 v1;
	_ =	sdelay $0x7  }
0x16b: {  	v1 =	vpop (erf)  }
0x16c: {  	v2 =	vpop (erf)  }
0x16d: {  	v2 =	vmul.f32 v2, v1  }
0x16e: {  	vm15 =	vle.f32 v1, $0.0e+00  }
0x16f: {  	v1 =	vsel vm15, $0x0, v2;
	v2 =	vmov s14  }
0x170: {  	s14 =	simm.s32 $0x38C0;
	[tilespmem:$0x10F0] =	vst v1  }
0x171: {  	v5 =	vld [tilespmem:s14+$0x30]  }
0x172: {  	v8 =	vld [tilespmem:s14+$0x10]  }
0x173: {  	v6 =	vld [tilespmem:s14+$0xFFFFFFC0]  }
0x174: {  	v2 =	vld.idx.msk [tilespmem:v2+s29+$0x0], $0xffff  }
0x175: {  	v10 =	vld [tilespmem:s14+$0xFFFFFFE0]  }
0x176: {  	v1 =	vld [tilespmem:s14+$0xFFFFFFF0]  }
0x177: {  	v3 =	vld [tilespmem:s14+$0x20]  }
0x178: {  	v4 =	vld [tilespmem:s14+$0xFFFFFFD0]  }
0x179: {  	v9 =	vmul.f32 v5, v2;
	v5 =	vld [tilespmem:s14+$0x0]  }
0x17a: {  	v7 =	vmul.f32 v6, v2  }
0x17b: {  	s18 =	simm.s32 $0x1;
	s19 =	simm.s32 $0x38C0;
	v6 =	vmul.f32 v10, v2;
	v8 =	vmul.f32 v8, v2  }
.LBB2_13:
0x17c: {  	p1 =	sne.s32 s18, $0x7F  }
0x17d: {  	v4 =	vmul.f32 v4, v2;
	v3 =	vmul.f32 v3, v2;
	[tilespmem:s14+$0x30] =	vst v9;
	s19 =	sadd.s32 $0x80, s19;
	s21 =	smov.u32 s18;
	s18 =	sadd.s32 $0x1, s18  }
0x17e: {  	[tilespmem:s14+$0xFFFFFFC0] =	vst v7;
	v7 =	vmul.f32 v1, v2;
	v2 =	vmul.f32 v5, v2  }
0x17f: {  	[tilespmem:s14+$0x10] =	vst v8  }
0x180: {  	v5 =	vmov s21;
	[tilespmem:s14+$0xFFFFFFE0] =	vst v6  }
0x181: {  	v1 =	vld [tilespmem:s19+$0xFFFFFFF0];
	[tilespmem:s14+$0xFFFFFFF0] =	vst v7  }
0x182: {  	v6 =	vld [tilespmem:s19+$0x30];
	[tilespmem:s14+$0x0] =	vst v2  }
0x183: {  	v8 =	vld [tilespmem:s19+$0x10];
	[tilespmem:s14+$0x20] =	vst v3  }
0x184: {  	v7 =	vld [tilespmem:s19+$0xFFFFFFC0];
	[tilespmem:s14+$0xFFFFFFD0] =	vst v4;
	s14 =	smov.u32 s19  }
0x185: {  	v2 =	vld.idx.msk [tilespmem:v5+s29+$0x0], $0xffff  }
0x186: {  	v10 =	vld [tilespmem:s19+$0xFFFFFFE0]  }
0x187: {  	v3 =	vld [tilespmem:s19+$0x20]  }
.Ltmp9:
0x188: {  	v4 =	vld [tilespmem:s19+$0xFFFFFFD0];
	(pc) =	sbr.rel @p1 .LBB2_13-.Ltmp9, $3  }
0x189: {  	v5 =	vld [tilespmem:s19+$0x0];
	_ =	sdelay $0x1  }
0x18a: {  	v7 =	vmul.f32 v7, v2;
	v9 =	vmul.f32 v6, v2  }
0x18b: {  	v8 =	vmul.f32 v8, v2;
	v6 =	vmul.f32 v10, v2  }
0x18c: {  	[tilespmem:s14+$0x30] =	vst v9  }
0x18d: {  	[tilespmem:s14+$0xFFFFFFC0] =	vst v7  }
0x18e: {  	v1 =	vmul.f32 v1, v2;
	[tilespmem:s14+$0x10] =	vst v8  }
0x18f: {  	v3 =	vmul.f32 v3, v2;
	[tilespmem:s14+$0xFFFFFFE0] =	vst v6  }
0x190: {  	v5 =	vmul.f32 v5, v2;
	[tilespmem:s14+$0xFFFFFFF0] =	vst v1  }
0x191: {  	v1 =	vmul.f32 v4, v2;
	[tilespmem:s14+$0x20] =	vst v3  }
0x192: {  	s12 =	sadd.s32 $0x1, s12;
	[tilespmem:s14+$0x0] =	vst v5  }
0x193: {  	p1 =	sne.s32 s12, s11;
	[tilespmem:s14+$0xFFFFFFD0] =	vst v1  }
0x194: {  	[spmem:s4] =	stream.indirect.scatter.add.f32 [tilespmem:s22], [sflag:$0x1], $0x80, s13, s25, $0xb8;
	[tilespmem:$0x1B378] =	vst v63  }
.Ltmp10:
0x195: {  	_ = 	snop;
	(pc) =	sbr.rel @p1 .LBB2_12-.Ltmp10, $4  }
.Ltmp11:
0x196: {  	_ = 	snop;
	(pc) =	sbr.rel @!p1 .LBB2_15-.Ltmp11, $4  }
0x197: {  	_ =	swait.ge [sflag:s23], $0x4000  }
0x198: {  	[sflag:s23] =	ssyncset.done $0x0  }
0x199: {  	[sflag:s23] =	ssyncadd.s32 $0xFFFFC000  }
0x19a: {  	_ = 	snop  }
.LBB2_17:
0x19b: {  	_ =	sfence.sel $0x180000  }
0x19c: {  	[bflag:$0x0] =	sbarrier.arrive $0xFFFF  }
0x19d: {  	_ =	strace $0x90000047  }
0x19e: {  	[bflag:$0x2] =	sbarrier.arrive $0xFFFF  }
0x19f: {  	s0 =	rddreg [dreg:$0x5]  }
0x1a0: {  	s0 =	sadd.s32 @!p0 $0x100000, s0  }
0x1a1: {  	[sflag:s0] =	ssyncadd.tile.s32 @!p0 $0x1;
	_ =	shalt  }
.Lfunc_end2:
_tile_overlayer_lowered:
.L_overlay_start_2:
0x1a2: {  	(tag) =	ssettag $0x2  }
0x1a3: {  	s0 =	rddreg [dreg:$0x0];
	s2 =	stileid.u32  }
0x1a4: {  	s1 =	rddreg [dreg:$0x1];
	p0 =	sne.s32 s2, $0x0  }
0x1a5: {  	s3 =	rddreg [dreg:$0x2];
	[bflag:$0x3] =	sbarrier.arrive $0xFFFF;
	s2 =	simm.s32 @!p0 $0x1C01  }
0x1a6: {  	[timem:s3], [sflag:s2] =	dma.local @!p0 [hbm:s0], s1  }
0x1a7: {  	s0 =	simm.s32 @!p0 $0x1  }
0x1a8: {  	_ =	swait.ge @!p0 [sflag:s0], s1  }
0x1a9: {  	s1 =	ssub.s32 @!p0 $0x0, s1;
	[sflag:s0] =	ssyncset.done @!p0 $0x0  }
0x1aa: {  	[sflag:s0] =	ssyncadd.s32 @!p0 s1  }
0x1ab: {  	[bflag:$0x3] =	sbarrier.arrive $0xFFFF  }
0x1ac: {  	_ =	shalt  }

</sc_bundles>
